<compile_context>
chip_gen: v7x
topology: tpu7x:2x2x1
jax: 0.10.2.dev20260603
libtpu: 0.0.44.dev20260713+nightly
codegen_flags: <defaults>
</compile_context>

<pallas_src>
import jax
import jax.numpy as jnp
from jax import lax
from jax.experimental import pallas as pl
from jax.experimental.pallas import tpu as pltpu
from jax.experimental.pallas import tpu_sc as plsc

N_NODES = 10000
N_EDGES = 160000
F = 256
FH = 128
NC = 2
NS = 16
EPS = N_EDGES // NS
B = 80
NB = EPS // B
NBUF = 2
VPC = EPS // 16
CH = 200
NCH = N_NODES // CH
MM_ROWS = 2000


def _sc_body(x2, src_hbm, dst3_hbm, out3, srcf, sidx2d,
             r0, r1, acc, s0, s1, s4, s5):
    rows = [r0, r1]
    qsems = [[s0, s1], [s4, s5]]
    NSPL = 2
    HB = B // NSPL
    c = lax.axis_index("c")
    s = lax.axis_index("s")

    def fire(b, p):
        for q in range(NSPL):
            pltpu.async_copy(
                x2.at[srcf.at[pl.ds(b * B + q * HB, HB)]],
                rows[p].at[pl.ds(q * HB, HB)], qsems[p][q])

    def drain(p):
        for q in range(NSPL):
            pltpu.make_async_copy(
                x2.at[srcf.at[pl.ds(0, HB)]],
                rows[p].at[pl.ds(q * HB, HB)], qsems[p][q]).wait()

    pltpu.async_copy(src_hbm.at[pl.ds(s * EPS, EPS)], srcf, qsems[1][0])
    pltpu.async_copy(dst3_hbm.at[s], sidx2d, qsems[1][0])

    zero16 = jnp.zeros((16,), jnp.float32)

    def zfill(i, carry):
        rows[0][i // (FH // 16), pl.ds((i % (FH // 16)) * 16, 16)] = zero16
        return carry

    lax.fori_loop(0, B * (FH // 16), zfill, 0)

    nzc = N_NODES // B
    for k in range(pl.cdiv(nzc, NS)):
        j = s + NS * k

        @pl.when(j < nzc)
        def _():
            pltpu.async_copy(rows[0], acc.at[pl.ds(j * B, B)], qsems[0][0])

    pltpu.make_async_copy(src_hbm.at[pl.ds(0, EPS)], srcf, qsems[1][0]).wait()
    pltpu.make_async_copy(dst3_hbm.at[0], sidx2d, qsems[1][0]).wait()

    def tbody(j, carry):
        sv = srcf[pl.ds(j * 16, 16)]
        srcf[pl.ds(j * 16, 16)] = sv * 2 + c
        return carry

    pv = 2 * B // 16
    lax.fori_loop(0, pv, tbody, 0)
    fire(1, 1)
    lax.fori_loop(pv, VPC, tbody, 0)

    for k in range(pl.cdiv(nzc, NS)):
        j = s + NS * k

        @pl.when(j < nzc)
        def _():
            pltpu.make_async_copy(rows[0], acc.at[pl.ds(0, B)], qsems[0][0]).wait()

    fire(0, 0)
    plsc.subcore_barrier()

    def round_body(i, carry):
        g = i * NBUF
        for p in range(NBUF):
            drain(p)
            pltpu.sync_copy(rows[p], acc.at[sidx2d.at[g + p]], add=True)
            fire(g + NBUF + p, p)
        return carry

    nr = (NB - NBUF - 1) // NBUF
    lax.fori_loop(0, nr, round_body, 0)
    for p in range(NBUF):
        drain(p)
        pltpu.sync_copy(rows[p], acc.at[sidx2d.at[nr * NBUF + p]], add=True)
        if p < NB - (nr + 1) * NBUF:
            fire((nr + 1) * NBUF + p, p)
    for p in range(NB - (nr + 1) * NBUF):
        drain(p)
        pltpu.sync_copy(rows[p], acc.at[sidx2d.at[(nr + 1) * NBUF + p]], add=True)

    plsc.subcore_barrier()

    for k in range(pl.cdiv(NCH, NS)):
        j = s + NS * k

        @pl.when(j < NCH)
        def _():
            pltpu.async_copy(
                acc.at[pl.ds(j * CH, CH)], out3.at[c, pl.ds(j * CH, CH)], qsems[0][0])

    for k in range(pl.cdiv(NCH, NS)):
        j = s + NS * k

        @pl.when(j < NCH)
        def _():
            pltpu.make_async_copy(
                acc.at[pl.ds(0, CH)], out3.at[c, pl.ds(0, CH)], qsems[0][0]).wait()


def _mm_body(a_ref, w_ref, b_ref, o_ref):
    o_ref[...] = (
        jnp.dot(a_ref[0], w_ref[0], preferred_element_type=jnp.float32)
        + jnp.dot(a_ref[1], w_ref[1], preferred_element_type=jnp.float32)
        + b_ref[...]
    )


@jax.jit
def kernel(x, edge_index, weight, bias):
    x2 = x.reshape(N_NODES * 2, FH)
    edge_index = edge_index.astype(jnp.int32)
    src = edge_index[0]
    dst3 = edge_index[1].reshape(NS, NB, B)

    mesh = plsc.VectorSubcoreMesh(core_axis_name="c", subcore_axis_name="s")
    agg3 = pl.kernel(
        _sc_body,
        out_type=jax.ShapeDtypeStruct((NC, N_NODES, FH), jnp.float32),
        mesh=mesh,
        scratch_types=[
            pltpu.VMEM((EPS,), jnp.int32),
            pltpu.VMEM((NB, B), jnp.int32),
            pltpu.VMEM((B, FH), jnp.float32),
            pltpu.VMEM((B, FH), jnp.float32),
            pltpu.VMEM_SHARED((N_NODES, FH), jnp.float32),
            pltpu.SemaphoreType.DMA,
            pltpu.SemaphoreType.DMA,
            pltpu.SemaphoreType.DMA,
            pltpu.SemaphoreType.DMA,
        ],
    )(x2, src, dst3)

    w3 = weight.reshape(NC, FH, F)
    out = pl.pallas_call(
        _mm_body,
        grid=(N_NODES // MM_ROWS,),
        in_specs=[
            pl.BlockSpec((NC, MM_ROWS, FH), lambda i: (0, i, 0)),
            pl.BlockSpec((NC, FH, F), lambda i: (0, 0, 0)),
            pl.BlockSpec((1, F), lambda i: (0, 0)),
        ],
        out_specs=pl.BlockSpec((MM_ROWS, F), lambda i: (i, 0)),
        out_shape=jax.ShapeDtypeStruct((N_NODES, F), jnp.float32),
    )(agg3, w3, bias.reshape(1, F))
    return out

# --- scband reference (transcript-rebuilt; emitter-appended) ---
"""Pipeline reference for scband-graph-conv-8632884265527 (READ-ONLY COPY).

The authoritative reference and input builder live on the scoring server;
editing this copy changes nothing except your own understanding.
"""

import jax, jax.numpy as jnp
import numpy as np

N_NODES = 10000
IN_FEATURES = 256
OUT_FEATURES = 256
N_EDGES = 160000

def setup_inputs(seed: int = 0) -> dict:
    key = jax.random.key(seed)
    k1, k2, k3 = jax.random.split(key, 3)
    x = jax.random.normal(k1, (N_NODES, IN_FEATURES), dtype=jnp.float32)
    edge_index = jax.random.randint(k2, (2, N_EDGES), 0, N_NODES, dtype=jnp.int64) if jax.config.jax_enable_x64 else jax.random.randint(k2, (2, N_EDGES), 0, N_NODES).astype(jnp.int32)
    # Xavier-uniform weight as in nn.init.xavier_uniform_
    limit = float(np.sqrt(6.0 / (IN_FEATURES + OUT_FEATURES)))
    weight = jax.random.uniform(k3, (IN_FEATURES, OUT_FEATURES), dtype=jnp.float32, minval=-limit, maxval=limit)
    bias = jnp.zeros((OUT_FEATURES,), dtype=jnp.float32)
    return {"x": x, "edge_index": edge_index, "weight": weight, "bias": bias}

def reference(x, edge_index, weight, bias):
    # support = x @ W
    support = jnp.dot(x, weight)
    # output = spmm(adj, support): adj is a binary sparse matrix given in COO form
    # edge_index[0] = source (column) indices, edge_index[1] = destination (row) indices
    src = edge_index[0]
    dst = edge_index[1]
    gathered = jnp.take(support, src, axis=0)
    output = jax.ops.segment_sum(gathered, dst, num_segments=N_NODES)
    return output + bias

if __name__ == "__main__":
    import jax
    _d = setup_inputs()
    print(jax.jit(kernel)(*tuple(_d.values())))

</pallas_src>

<mosaic_0001>
#map = affine_map<(d0, d1) -> (0, 0)>
#map1 = affine_map<(d0, d1) -> (0)>
#map2 = affine_map<(d0, d1) -> (0, 0, 0)>
module attributes {stable_mosaic.version = 14 : i64} {
  func.func @_sc_body(%arg0: i32, %arg1: i32, %arg2: memref<20000x128xf32, #tpu.memory_space<hbm>>, %arg3: memref<160000xi32, #tpu.memory_space<hbm>>, %arg4: memref<16x125x80xi32, #tpu.memory_space<hbm>>, %arg5: memref<2x10000x128xf32, #tpu.memory_space<hbm>>, %arg6: memref<10000xi32, #tpu.memory_space<vmem>>, %arg7: memref<125x80xi32, #tpu.memory_space<vmem>>, %arg8: memref<80x128xf32, #tpu.memory_space<vmem>>, %arg9: memref<80x128xf32, #tpu.memory_space<vmem>>, %arg10: memref<10000x128xf32, #tpu.memory_space<vmem_shared>>, %arg11: memref<!tpu.dma_semaphore, #tpu.memory_space<semaphore_mem>>, %arg12: memref<!tpu.dma_semaphore, #tpu.memory_space<semaphore_mem>>, %arg13: memref<!tpu.dma_semaphore, #tpu.memory_space<semaphore_mem>>, %arg14: memref<!tpu.dma_semaphore, #tpu.memory_space<semaphore_mem>>) attributes {dimension_semantics = [#tpu.dimension_semantics<core_parallel>, #tpu.dimension_semantics<subcore_parallel>], iteration_bounds = array<i64: 2, 16>, scalar_prefetch = 0 : i64, scratch_operands = 9 : i64, tpu.core_type = #tpu.core_type<sc_vector_subcore>, window_params = [{transform_indices = #map}, {transform_indices = #map1}, {transform_indices = #map2}, {transform_indices = #map2}]} {
    %mul3A = arith.constant 10000 : i32
    %mul3A_0 = arith.muli %arg1, %mul3A : i32
    %dma_start3A = tpu.memref_slice %arg3[%mul3A_0] : memref<160000xi32, #tpu.memory_space<hbm>> -> memref<10000xi32, #tpu.memory_space<hbm>>
    %dma_start3A_1 = tpu.memref_slice %arg3[%mul3A_0] : memref<160000xi32, #tpu.memory_space<hbm>> -> memref<10000xi32, #tpu.memory_space<hbm>>
    tpu.enqueue_dma source(%dma_start3A_1 : memref<10000xi32, #tpu.memory_space<hbm>>) target(%arg6 : memref<10000xi32, #tpu.memory_space<vmem>>) target_semaphore(%arg13 : memref<!tpu.dma_semaphore, #tpu.memory_space<semaphore_mem>>)
    %dma_start3A_2 = arith.constant 0 : i32
    %dma_start3A_3 = arith.constant 0 : i32
    %dma_start3A_4 = tpu.memref_slice %arg4[%arg1, %dma_start3A_2, %dma_start3A_3] : memref<16x125x80xi32, #tpu.memory_space<hbm>> -> memref<1x125x80xi32, #tpu.memory_space<hbm>>
    %dma_start3A_5 = tpu.memref_squeeze %dma_start3A_4 : memref<1x125x80xi32, #tpu.memory_space<hbm>> -> memref<125x80xi32, #tpu.memory_space<hbm>>
    %dma_start3A_6 = arith.constant 0 : i32
    %dma_start3A_7 = arith.constant 0 : i32
    %dma_start3A_8 = tpu.memref_slice %arg4[%arg1, %dma_start3A_6, %dma_start3A_7] : memref<16x125x80xi32, #tpu.memory_space<hbm>> -> memref<1x125x80xi32, #tpu.memory_space<hbm>>
    %dma_start3A_9 = tpu.memref_squeeze %dma_start3A_8 : memref<1x125x80xi32, #tpu.memory_space<hbm>> -> memref<125x80xi32, #tpu.memory_space<hbm>>
    tpu.enqueue_dma source(%dma_start3A_9 : memref<125x80xi32, #tpu.memory_space<hbm>>) target(%arg7 : memref<125x80xi32, #tpu.memory_space<vmem>>) target_semaphore(%arg13 : memref<!tpu.dma_semaphore, #tpu.memory_space<semaphore_mem>>)
    %broadcast_in_dim3A = arith.constant 0.000000e+00 : f32
    %broadcast_in_dim3A_10 = vector.broadcast %broadcast_in_dim3A : f32 to vector<16xf32>
    %scan3A = arith.constant 0 : i32
    %scan3A_11 = arith.constant 0 : i32
    %scan3A_12 = arith.constant 640 : i32
    %scan3A_13 = arith.addi %scan3A_11, %scan3A_12 : i32
    %scan3A_14 = arith.constant 1 : i32
    scf.for %scan3A_309 = %scan3A_11 to %scan3A_13 step %scan3A_14  : i32 {
      %jit3A = arith.constant 8 : i32
      %div3A = arith.divsi %scan3A_309, %jit3A : i32
      %sign3A = arith.constant 0 : i32
      %sign3A_310 = arith.cmpi sgt, %scan3A_309, %sign3A : i32
      %sign3A_311 = arith.extui %sign3A_310 : i1 to i32
      %sign3A_312 = arith.constant 0 : i32
      %sign3A_313 = arith.cmpi slt, %scan3A_309, %sign3A_312 : i32
      %sign3A_314 = arith.extui %sign3A_313 : i1 to i32
      %sign3A_315 = arith.subi %sign3A_311, %sign3A_314 : i32
      %sign3A_316 = arith.constant 0 : i32
      %sign3A_317 = arith.cmpi sgt, %jit3A, %sign3A_316 : i32
      %sign3A_318 = arith.extui %sign3A_317 : i1 to i32
      %sign3A_319 = arith.constant 0 : i32
      %sign3A_320 = arith.cmpi slt, %jit3A, %sign3A_319 : i32
      %sign3A_321 = arith.extui %sign3A_320 : i1 to i32
      %sign3A_322 = arith.subi %sign3A_318, %sign3A_321 : i32
      %ne3A = arith.cmpi ne, %sign3A_315, %sign3A_322 : i32
      %rem3A = arith.remsi %scan3A_309, %jit3A : i32
      %ne3A_323 = arith.constant 0 : i32
      %ne3A_324 = arith.cmpi ne, %rem3A, %ne3A_323 : i32
      %and3A = arith.andi %ne3A, %ne3A_324 : i1
      %sub3A = arith.constant 1 : i32
      %sub3A_325 = arith.subi %div3A, %sub3A : i32
      %select_n3A = arith.select %and3A, %sub3A_325, %div3A : i32
      %jit3A_326 = arith.constant 8 : i32
      %eq3A = arith.constant 0 : i32
      %eq3A_327 = arith.cmpi eq, %jit3A_326, %eq3A : i32
      %jit3A_328 = arith.constant 1 : i32
      %select_n3A_329 = arith.select %eq3A_327, %jit3A_328, %jit3A_326 : i32
      %rem3A_330 = arith.remsi %scan3A_309, %select_n3A_329 : i32
      %ne3A_331 = arith.constant 0 : i32
      %ne3A_332 = arith.cmpi ne, %rem3A_330, %ne3A_331 : i32
      %lt3A_333 = arith.constant 0 : i32
      %lt3A_334 = arith.cmpi slt, %rem3A_330, %lt3A_333 : i32
      %lt3A_335 = arith.constant 0 : i32
      %lt3A_336 = arith.cmpi slt, %select_n3A_329, %lt3A_335 : i32
      %ne3A_337 = arith.xori %lt3A_334, %lt3A_336 : i1
      %and3A_338 = arith.andi %ne3A_337, %ne3A_332 : i1
      %add3A_339 = arith.addi %rem3A_330, %select_n3A_329 : i32
      %select_n3A_340 = arith.select %and3A_338, %add3A_339, %rem3A_330 : i32
      %mul3A_341 = arith.constant 16 : i32
      %mul3A_342 = arith.muli %select_n3A_340, %mul3A_341 : i32
      %swap3A = arith.index_cast %select_n3A : i32 to index
      %swap3A_343 = arith.index_cast %mul3A_342 : i32 to index
      %swap3A_344 = tpu.vector_load %arg8[%swap3A, %swap3A_343] {strides = array<i32>} : memref<80x128xf32, #tpu.memory_space<vmem>>, vector<1x16xf32>,
      %swap3A_345 = vector.shape_cast %swap3A_344 : vector<1x16xf32> to vector<16xf32>
      %swap3A_346 = vector.shape_cast %broadcast_in_dim3A_10 : vector<16xf32> to vector<1x16xf32>
      tpu.vector_store %arg8[%swap3A, %swap3A_343], %swap3A_346 {strides = array<i32>} : memref<80x128xf32, #tpu.memory_space<vmem>>, vector<1x16xf32>,
    }
    %scan3A_15 = arith.constant 640 : i32
    %add3A = arith.constant 0 : i32
    %add3A_16 = arith.addi %arg1, %add3A : i32
    %lt3A = arith.constant 125 : i32
    %lt3A_17 = arith.cmpi slt, %add3A_16, %lt3A : i32
    %convert_element_type3A = arith.extui %lt3A_17 : i1 to i32
    %cond3A = arith.constant 0 : i32
    %cond3A_18 = arith.cmpi ne, %convert_element_type3A, %cond3A : i32
    scf.if %cond3A_18 {
      %mul3A_309 = arith.constant 80 : i32
      %mul3A_310 = arith.muli %add3A_16, %mul3A_309 : i32
      %dma_start3A_311 = arith.constant 0 : i32
      %dma_start3A_312 = tpu.memref_slice %arg10[%mul3A_310, %dma_start3A_311] : memref<10000x128xf32, #tpu.memory_space<vmem_shared>> -> memref<80x128xf32, #tpu.memory_space<vmem_shared>>
      %dma_start3A_313 = arith.constant 0 : i32
      %dma_start3A_314 = tpu.memref_slice %arg10[%mul3A_310, %dma_start3A_313] : memref<10000x128xf32, #tpu.memory_space<vmem_shared>> -> memref<80x128xf32, #tpu.memory_space<vmem_shared>>
      tpu.enqueue_dma source(%arg8 : memref<80x128xf32, #tpu.memory_space<vmem>>) target(%dma_start3A_314 : memref<80x128xf32, #tpu.memory_space<vmem_shared>>) target_semaphore(%arg11 : memref<!tpu.dma_semaphore, #tpu.memory_space<semaphore_mem>>)
    } else {
    }
    %add3A_19 = arith.constant 16 : i32
    %add3A_20 = arith.addi %arg1, %add3A_19 : i32
    %lt3A_21 = arith.constant 125 : i32
    %lt3A_22 = arith.cmpi slt, %add3A_20, %lt3A_21 : i32
    %convert_element_type3A_23 = arith.extui %lt3A_22 : i1 to i32
    %cond3A_24 = arith.constant 0 : i32
    %cond3A_25 = arith.cmpi ne, %convert_element_type3A_23, %cond3A_24 : i32
    scf.if %cond3A_25 {
      %mul3A_309 = arith.constant 80 : i32
      %mul3A_310 = arith.muli %add3A_20, %mul3A_309 : i32
      %dma_start3A_311 = arith.constant 0 : i32
      %dma_start3A_312 = tpu.memref_slice %arg10[%mul3A_310, %dma_start3A_311] : memref<10000x128xf32, #tpu.memory_space<vmem_shared>> -> memref<80x128xf32, #tpu.memory_space<vmem_shared>>
      %dma_start3A_313 = arith.constant 0 : i32
      %dma_start3A_314 = tpu.memref_slice %arg10[%mul3A_310, %dma_start3A_313] : memref<10000x128xf32, #tpu.memory_space<vmem_shared>> -> memref<80x128xf32, #tpu.memory_space<vmem_shared>>
      tpu.enqueue_dma source(%arg8 : memref<80x128xf32, #tpu.memory_space<vmem>>) target(%dma_start3A_314 : memref<80x128xf32, #tpu.memory_space<vmem_shared>>) target_semaphore(%arg11 : memref<!tpu.dma_semaphore, #tpu.memory_space<semaphore_mem>>)
    } else {
    }
    %add3A_26 = arith.constant 32 : i32
    %add3A_27 = arith.addi %arg1, %add3A_26 : i32
    %lt3A_28 = arith.constant 125 : i32
    %lt3A_29 = arith.cmpi slt, %add3A_27, %lt3A_28 : i32
    %convert_element_type3A_30 = arith.extui %lt3A_29 : i1 to i32
    %cond3A_31 = arith.constant 0 : i32
    %cond3A_32 = arith.cmpi ne, %convert_element_type3A_30, %cond3A_31 : i32
    scf.if %cond3A_32 {
      %mul3A_309 = arith.constant 80 : i32
      %mul3A_310 = arith.muli %add3A_27, %mul3A_309 : i32
      %dma_start3A_311 = arith.constant 0 : i32
      %dma_start3A_312 = tpu.memref_slice %arg10[%mul3A_310, %dma_start3A_311] : memref<10000x128xf32, #tpu.memory_space<vmem_shared>> -> memref<80x128xf32, #tpu.memory_space<vmem_shared>>
      %dma_start3A_313 = arith.constant 0 : i32
      %dma_start3A_314 = tpu.memref_slice %arg10[%mul3A_310, %dma_start3A_313] : memref<10000x128xf32, #tpu.memory_space<vmem_shared>> -> memref<80x128xf32, #tpu.memory_space<vmem_shared>>
      tpu.enqueue_dma source(%arg8 : memref<80x128xf32, #tpu.memory_space<vmem>>) target(%dma_start3A_314 : memref<80x128xf32, #tpu.memory_space<vmem_shared>>) target_semaphore(%arg11 : memref<!tpu.dma_semaphore, #tpu.memory_space<semaphore_mem>>)
    } else {
    }
    %add3A_33 = arith.constant 48 : i32
    %add3A_34 = arith.addi %arg1, %add3A_33 : i32
    %lt3A_35 = arith.constant 125 : i32
    %lt3A_36 = arith.cmpi slt, %add3A_34, %lt3A_35 : i32
    %convert_element_type3A_37 = arith.extui %lt3A_36 : i1 to i32
    %cond3A_38 = arith.constant 0 : i32
    %cond3A_39 = arith.cmpi ne, %convert_element_type3A_37, %cond3A_38 : i32
    scf.if %cond3A_39 {
      %mul3A_309 = arith.constant 80 : i32
      %mul3A_310 = arith.muli %add3A_34, %mul3A_309 : i32
      %dma_start3A_311 = arith.constant 0 : i32
      %dma_start3A_312 = tpu.memref_slice %arg10[%mul3A_310, %dma_start3A_311] : memref<10000x128xf32, #tpu.memory_space<vmem_shared>> -> memref<80x128xf32, #tpu.memory_space<vmem_shared>>
      %dma_start3A_313 = arith.constant 0 : i32
      %dma_start3A_314 = tpu.memref_slice %arg10[%mul3A_310, %dma_start3A_313] : memref<10000x128xf32, #tpu.memory_space<vmem_shared>> -> memref<80x128xf32, #tpu.memory_space<vmem_shared>>
      tpu.enqueue_dma source(%arg8 : memref<80x128xf32, #tpu.memory_space<vmem>>) target(%dma_start3A_314 : memref<80x128xf32, #tpu.memory_space<vmem_shared>>) target_semaphore(%arg11 : memref<!tpu.dma_semaphore, #tpu.memory_space<semaphore_mem>>)
    } else {
    }
    %add3A_40 = arith.constant 64 : i32
    %add3A_41 = arith.addi %arg1, %add3A_40 : i32
    %lt3A_42 = arith.constant 125 : i32
    %lt3A_43 = arith.cmpi slt, %add3A_41, %lt3A_42 : i32
    %convert_element_type3A_44 = arith.extui %lt3A_43 : i1 to i32
    %cond3A_45 = arith.constant 0 : i32
    %cond3A_46 = arith.cmpi ne, %convert_element_type3A_44, %cond3A_45 : i32
    scf.if %cond3A_46 {
      %mul3A_309 = arith.constant 80 : i32
      %mul3A_310 = arith.muli %add3A_41, %mul3A_309 : i32
      %dma_start3A_311 = arith.constant 0 : i32
      %dma_start3A_312 = tpu.memref_slice %arg10[%mul3A_310, %dma_start3A_311] : memref<10000x128xf32, #tpu.memory_space<vmem_shared>> -> memref<80x128xf32, #tpu.memory_space<vmem_shared>>
      %dma_start3A_313 = arith.constant 0 : i32
      %dma_start3A_314 = tpu.memref_slice %arg10[%mul3A_310, %dma_start3A_313] : memref<10000x128xf32, #tpu.memory_space<vmem_shared>> -> memref<80x128xf32, #tpu.memory_space<vmem_shared>>
      tpu.enqueue_dma source(%arg8 : memref<80x128xf32, #tpu.memory_space<vmem>>) target(%dma_start3A_314 : memref<80x128xf32, #tpu.memory_space<vmem_shared>>) target_semaphore(%arg11 : memref<!tpu.dma_semaphore, #tpu.memory_space<semaphore_mem>>)
    } else {
    }
    %add3A_47 = arith.constant 80 : i32
    %add3A_48 = arith.addi %arg1, %add3A_47 : i32
    %lt3A_49 = arith.constant 125 : i32
    %lt3A_50 = arith.cmpi slt, %add3A_48, %lt3A_49 : i32
    %convert_element_type3A_51 = arith.extui %lt3A_50 : i1 to i32
    %cond3A_52 = arith.constant 0 : i32
    %cond3A_53 = arith.cmpi ne, %convert_element_type3A_51, %cond3A_52 : i32
    scf.if %cond3A_53 {
      %mul3A_309 = arith.constant 80 : i32
      %mul3A_310 = arith.muli %add3A_48, %mul3A_309 : i32
      %dma_start3A_311 = arith.constant 0 : i32
      %dma_start3A_312 = tpu.memref_slice %arg10[%mul3A_310, %dma_start3A_311] : memref<10000x128xf32, #tpu.memory_space<vmem_shared>> -> memref<80x128xf32, #tpu.memory_space<vmem_shared>>
      %dma_start3A_313 = arith.constant 0 : i32
      %dma_start3A_314 = tpu.memref_slice %arg10[%mul3A_310, %dma_start3A_313] : memref<10000x128xf32, #tpu.memory_space<vmem_shared>> -> memref<80x128xf32, #tpu.memory_space<vmem_shared>>
      tpu.enqueue_dma source(%arg8 : memref<80x128xf32, #tpu.memory_space<vmem>>) target(%dma_start3A_314 : memref<80x128xf32, #tpu.memory_space<vmem_shared>>) target_semaphore(%arg11 : memref<!tpu.dma_semaphore, #tpu.memory_space<semaphore_mem>>)
    } else {
    }
    %add3A_54 = arith.constant 96 : i32
    %add3A_55 = arith.addi %arg1, %add3A_54 : i32
    %lt3A_56 = arith.constant 125 : i32
    %lt3A_57 = arith.cmpi slt, %add3A_55, %lt3A_56 : i32
    %convert_element_type3A_58 = arith.extui %lt3A_57 : i1 to i32
    %cond3A_59 = arith.constant 0 : i32
    %cond3A_60 = arith.cmpi ne, %convert_element_type3A_58, %cond3A_59 : i32
    scf.if %cond3A_60 {
      %mul3A_309 = arith.constant 80 : i32
      %mul3A_310 = arith.muli %add3A_55, %mul3A_309 : i32
      %dma_start3A_311 = arith.constant 0 : i32
      %dma_start3A_312 = tpu.memref_slice %arg10[%mul3A_310, %dma_start3A_311] : memref<10000x128xf32, #tpu.memory_space<vmem_shared>> -> memref<80x128xf32, #tpu.memory_space<vmem_shared>>
      %dma_start3A_313 = arith.constant 0 : i32
      %dma_start3A_314 = tpu.memref_slice %arg10[%mul3A_310, %dma_start3A_313] : memref<10000x128xf32, #tpu.memory_space<vmem_shared>> -> memref<80x128xf32, #tpu.memory_space<vmem_shared>>
      tpu.enqueue_dma source(%arg8 : memref<80x128xf32, #tpu.memory_space<vmem>>) target(%dma_start3A_314 : memref<80x128xf32, #tpu.memory_space<vmem_shared>>) target_semaphore(%arg11 : memref<!tpu.dma_semaphore, #tpu.memory_space<semaphore_mem>>)
    } else {
    }
    %add3A_61 = arith.constant 112 : i32
    %add3A_62 = arith.addi %arg1, %add3A_61 : i32
    %lt3A_63 = arith.constant 125 : i32
    %lt3A_64 = arith.cmpi slt, %add3A_62, %lt3A_63 : i32
    %convert_element_type3A_65 = arith.extui %lt3A_64 : i1 to i32
    %cond3A_66 = arith.constant 0 : i32
    %cond3A_67 = arith.cmpi ne, %convert_element_type3A_65, %cond3A_66 : i32
    scf.if %cond3A_67 {
      %mul3A_309 = arith.constant 80 : i32
      %mul3A_310 = arith.muli %add3A_62, %mul3A_309 : i32
      %dma_start3A_311 = arith.constant 0 : i32
      %dma_start3A_312 = tpu.memref_slice %arg10[%mul3A_310, %dma_start3A_311] : memref<10000x128xf32, #tpu.memory_space<vmem_shared>> -> memref<80x128xf32, #tpu.memory_space<vmem_shared>>
      %dma_start3A_313 = arith.constant 0 : i32
      %dma_start3A_314 = tpu.memref_slice %arg10[%mul3A_310, %dma_start3A_313] : memref<10000x128xf32, #tpu.memory_space<vmem_shared>> -> memref<80x128xf32, #tpu.memory_space<vmem_shared>>
      tpu.enqueue_dma source(%arg8 : memref<80x128xf32, #tpu.memory_space<vmem>>) target(%dma_start3A_314 : memref<80x128xf32, #tpu.memory_space<vmem_shared>>) target_semaphore(%arg11 : memref<!tpu.dma_semaphore, #tpu.memory_space<semaphore_mem>>)
    } else {
    }
    %dma_wait3A = arith.constant 0 : i32
    %dma_wait3A_68 = tpu.memref_slice %arg3[%dma_wait3A] : memref<160000xi32, #tpu.memory_space<hbm>> -> memref<10000xi32, #tpu.memory_space<hbm>>
    %dma_wait3A_69 = arith.constant 0 : i32
    %dma_wait3A_70 = tpu.memref_slice %arg3[%dma_wait3A_69] : memref<160000xi32, #tpu.memory_space<hbm>> -> memref<10000xi32, #tpu.memory_space<hbm>>
    tpu.wait_dma2 semaphore(%arg13 : memref<!tpu.dma_semaphore, #tpu.memory_space<semaphore_mem>>) src(%dma_wait3A_70 : memref<10000xi32, #tpu.memory_space<hbm>>) dst(%arg6 : memref<10000xi32, #tpu.memory_space<vmem>>)
    %dma_wait3A_71 = arith.constant 0 : i32
    %dma_wait3A_72 = arith.constant 0 : i32
    %dma_wait3A_73 = arith.constant 0 : i32
    %dma_wait3A_74 = tpu.memref_slice %arg4[%dma_wait3A_71, %dma_wait3A_72, %dma_wait3A_73] : memref<16x125x80xi32, #tpu.memory_space<hbm>> -> memref<1x125x80xi32, #tpu.memory_space<hbm>>
    %dma_wait3A_75 = tpu.memref_squeeze %dma_wait3A_74 : memref<1x125x80xi32, #tpu.memory_space<hbm>> -> memref<125x80xi32, #tpu.memory_space<hbm>>
    %dma_wait3A_76 = arith.constant 0 : i32
    %dma_wait3A_77 = arith.constant 0 : i32
    %dma_wait3A_78 = tpu.memref_slice %arg4[%dma_wait3A_71, %dma_wait3A_76, %dma_wait3A_77] : memref<16x125x80xi32, #tpu.memory_space<hbm>> -> memref<1x125x80xi32, #tpu.memory_space<hbm>>
    %dma_wait3A_79 = tpu.memref_squeeze %dma_wait3A_78 : memref<1x125x80xi32, #tpu.memory_space<hbm>> -> memref<125x80xi32, #tpu.memory_space<hbm>>
    tpu.wait_dma2 semaphore(%arg13 : memref<!tpu.dma_semaphore, #tpu.memory_space<semaphore_mem>>) src(%dma_wait3A_79 : memref<125x80xi32, #tpu.memory_space<hbm>>) dst(%arg7 : memref<125x80xi32, #tpu.memory_space<vmem>>)
    %scan3A_80 = arith.constant 0 : i32
    %scan3A_81 = arith.constant 0 : i32
    %scan3A_82 = arith.constant 10 : i32
    %scan3A_83 = arith.addi %scan3A_81, %scan3A_82 : i32
    %scan3A_84 = arith.constant 1 : i32
    scf.for %scan3A_309 = %scan3A_81 to %scan3A_83 step %scan3A_84  : i32 {
      %mul3A_310 = arith.constant 16 : i32
      %mul3A_311 = arith.muli %scan3A_309, %mul3A_310 : i32
      %get3A = arith.index_cast %mul3A_311 : i32 to index
      %get3A_312 = tpu.vector_load %arg6[%get3A] {strides = array<i32>} : memref<10000xi32, #tpu.memory_space<vmem>>, vector<16xi32>,
      %get3A_313 = vector.shape_cast %get3A_312 : vector<16xi32> to vector<16xi32>
      %mul3A_314 = arith.constant 2 : i32
      %mul3A_315 = vector.broadcast %mul3A_314 : i32 to vector<16xi32>
      %mul3A_316 = arith.muli %get3A_313, %mul3A_315 : vector<16xi32>
      %add3A_317 = vector.broadcast %arg0 : i32 to vector<16xi32>
      %add3A_318 = arith.addi %mul3A_316, %add3A_317 : vector<16xi32>
      %mul3A_319 = arith.constant 16 : i32
      %mul3A_320 = arith.muli %scan3A_309, %mul3A_319 : i32
      %swap3A = arith.index_cast %mul3A_320 : i32 to index
      %swap3A_321 = tpu.vector_load %arg6[%swap3A] {strides = array<i32>} : memref<10000xi32, #tpu.memory_space<vmem>>, vector<16xi32>,
      %swap3A_322 = vector.shape_cast %swap3A_321 : vector<16xi32> to vector<16xi32>
      %swap3A_323 = vector.shape_cast %add3A_318 : vector<16xi32> to vector<16xi32>
      tpu.vector_store %arg6[%swap3A], %swap3A_323 {strides = array<i32>} : memref<10000xi32, #tpu.memory_space<vmem>>, vector<16xi32>,
    }
    %scan3A_85 = arith.constant 10 : i32
    %dma_start3A_86 = arith.constant 0 : i32
    %dma_start3A_87 = arith.constant 0 : i32
    %dma_start3A_88 = tpu.memref_slice %arg9[%dma_start3A_86, %dma_start3A_87] : memref<80x128xf32, #tpu.memory_space<vmem>> -> memref<40x128xf32, #tpu.memory_space<vmem>>
    %dma_start3A_89 = arith.constant 80 : i32
    %dma_start3A_90 = tpu.memref_slice %arg6[%dma_start3A_89] : memref<10000xi32, #tpu.memory_space<vmem>> -> memref<40xi32, #tpu.memory_space<vmem>>
    %dma_start3A_91 = arith.constant 0 : i32
    %dma_start3A_92 = arith.constant 0 : i32
    %dma_start3A_93 = tpu.memref_slice %arg2[%dma_start3A_91, %dma_start3A_92] : memref<20000x128xf32, #tpu.memory_space<hbm>> -> memref<20000x128xf32, #tpu.memory_space<hbm>>
    tpu.enqueue_indirect_dma source(%dma_start3A_93 : memref<20000x128xf32, #tpu.memory_space<hbm>>) target(%dma_start3A_88 : memref<40x128xf32, #tpu.memory_space<vmem>>) offsets(%dma_start3A_90 : memref<40xi32, #tpu.memory_space<vmem>>) semaphore(%arg13 : memref<!tpu.dma_semaphore, #tpu.memory_space<semaphore_mem>>)
    %dma_start3A_94 = arith.constant 40 : i32
    %dma_start3A_95 = arith.constant 0 : i32
    %dma_start3A_96 = tpu.memref_slice %arg9[%dma_start3A_94, %dma_start3A_95] : memref<80x128xf32, #tpu.memory_space<vmem>> -> memref<40x128xf32, #tpu.memory_space<vmem>>
    %dma_start3A_97 = arith.constant 120 : i32
    %dma_start3A_98 = tpu.memref_slice %arg6[%dma_start3A_97] : memref<10000xi32, #tpu.memory_space<vmem>> -> memref<40xi32, #tpu.memory_space<vmem>>
    %dma_start3A_99 = arith.constant 0 : i32
    %dma_start3A_100 = arith.constant 0 : i32
    %dma_start3A_101 = tpu.memref_slice %arg2[%dma_start3A_99, %dma_start3A_100] : memref<20000x128xf32, #tpu.memory_space<hbm>> -> memref<20000x128xf32, #tpu.memory_space<hbm>>
    tpu.enqueue_indirect_dma source(%dma_start3A_101 : memref<20000x128xf32, #tpu.memory_space<hbm>>) target(%dma_start3A_96 : memref<40x128xf32, #tpu.memory_space<vmem>>) offsets(%dma_start3A_98 : memref<40xi32, #tpu.memory_space<vmem>>) semaphore(%arg14 : memref<!tpu.dma_semaphore, #tpu.memory_space<semaphore_mem>>)
    %scan3A_102 = arith.constant 0 : i32
    %scan3A_103 = arith.constant 10 : i32
    %scan3A_104 = arith.constant 615 : i32
    %scan3A_105 = arith.addi %scan3A_103, %scan3A_104 : i32
    %scan3A_106 = arith.constant 1 : i32
    scf.for %scan3A_309 = %scan3A_103 to %scan3A_105 step %scan3A_106  : i32 {
      %mul3A_310 = arith.constant 16 : i32
      %mul3A_311 = arith.muli %scan3A_309, %mul3A_310 : i32
      %get3A = arith.index_cast %mul3A_311 : i32 to index
      %get3A_312 = tpu.vector_load %arg6[%get3A] {strides = array<i32>} : memref<10000xi32, #tpu.memory_space<vmem>>, vector<16xi32>,
      %get3A_313 = vector.shape_cast %get3A_312 : vector<16xi32> to vector<16xi32>
      %mul3A_314 = arith.constant 2 : i32
      %mul3A_315 = vector.broadcast %mul3A_314 : i32 to vector<16xi32>
      %mul3A_316 = arith.muli %get3A_313, %mul3A_315 : vector<16xi32>
      %add3A_317 = vector.broadcast %arg0 : i32 to vector<16xi32>
      %add3A_318 = arith.addi %mul3A_316, %add3A_317 : vector<16xi32>
      %mul3A_319 = arith.constant 16 : i32
      %mul3A_320 = arith.muli %scan3A_309, %mul3A_319 : i32
      %swap3A = arith.index_cast %mul3A_320 : i32 to index
      %swap3A_321 = tpu.vector_load %arg6[%swap3A] {strides = array<i32>} : memref<10000xi32, #tpu.memory_space<vmem>>, vector<16xi32>,
      %swap3A_322 = vector.shape_cast %swap3A_321 : vector<16xi32> to vector<16xi32>
      %swap3A_323 = vector.shape_cast %add3A_318 : vector<16xi32> to vector<16xi32>
      tpu.vector_store %arg6[%swap3A], %swap3A_323 {strides = array<i32>} : memref<10000xi32, #tpu.memory_space<vmem>>, vector<16xi32>,
    }
    %scan3A_107 = arith.constant 615 : i32
    %add3A_108 = arith.constant 0 : i32
    %add3A_109 = arith.addi %arg1, %add3A_108 : i32
    %lt3A_110 = arith.constant 125 : i32
    %lt3A_111 = arith.cmpi slt, %add3A_109, %lt3A_110 : i32
    %convert_element_type3A_112 = arith.extui %lt3A_111 : i1 to i32
    %cond3A_113 = arith.constant 0 : i32
    %cond3A_114 = arith.cmpi ne, %convert_element_type3A_112, %cond3A_113 : i32
    scf.if %cond3A_114 {
      %dma_wait3A_309 = arith.constant 0 : i32
      %dma_wait3A_310 = arith.constant 0 : i32
      %dma_wait3A_311 = tpu.memref_slice %arg10[%dma_wait3A_309, %dma_wait3A_310] : memref<10000x128xf32, #tpu.memory_space<vmem_shared>> -> memref<80x128xf32, #tpu.memory_space<vmem_shared>>
      %dma_wait3A_312 = arith.constant 0 : i32
      %dma_wait3A_313 = arith.constant 0 : i32
      %dma_wait3A_314 = tpu.memref_slice %arg10[%dma_wait3A_312, %dma_wait3A_313] : memref<10000x128xf32, #tpu.memory_space<vmem_shared>> -> memref<80x128xf32, #tpu.memory_space<vmem_shared>>
      tpu.wait_dma2 semaphore(%arg11 : memref<!tpu.dma_semaphore, #tpu.memory_space<semaphore_mem>>) src(%arg8 : memref<80x128xf32, #tpu.memory_space<vmem>>) dst(%dma_wait3A_314 : memref<80x128xf32, #tpu.memory_space<vmem_shared>>)
    } else {
    }
    %add3A_115 = arith.constant 16 : i32
    %add3A_116 = arith.addi %arg1, %add3A_115 : i32
    %lt3A_117 = arith.constant 125 : i32
    %lt3A_118 = arith.cmpi slt, %add3A_116, %lt3A_117 : i32
    %convert_element_type3A_119 = arith.extui %lt3A_118 : i1 to i32
    %cond3A_120 = arith.constant 0 : i32
    %cond3A_121 = arith.cmpi ne, %convert_element_type3A_119, %cond3A_120 : i32
    scf.if %cond3A_121 {
      %dma_wait3A_309 = arith.constant 0 : i32
      %dma_wait3A_310 = arith.constant 0 : i32
      %dma_wait3A_311 = tpu.memref_slice %arg10[%dma_wait3A_309, %dma_wait3A_310] : memref<10000x128xf32, #tpu.memory_space<vmem_shared>> -> memref<80x128xf32, #tpu.memory_space<vmem_shared>>
      %dma_wait3A_312 = arith.constant 0 : i32
      %dma_wait3A_313 = arith.constant 0 : i32
      %dma_wait3A_314 = tpu.memref_slice %arg10[%dma_wait3A_312, %dma_wait3A_313] : memref<10000x128xf32, #tpu.memory_space<vmem_shared>> -> memref<80x128xf32, #tpu.memory_space<vmem_shared>>
      tpu.wait_dma2 semaphore(%arg11 : memref<!tpu.dma_semaphore, #tpu.memory_space<semaphore_mem>>) src(%arg8 : memref<80x128xf32, #tpu.memory_space<vmem>>) dst(%dma_wait3A_314 : memref<80x128xf32, #tpu.memory_space<vmem_shared>>)
    } else {
    }
    %add3A_122 = arith.constant 32 : i32
    %add3A_123 = arith.addi %arg1, %add3A_122 : i32
    %lt3A_124 = arith.constant 125 : i32
    %lt3A_125 = arith.cmpi slt, %add3A_123, %lt3A_124 : i32
    %convert_element_type3A_126 = arith.extui %lt3A_125 : i1 to i32
    %cond3A_127 = arith.constant 0 : i32
    %cond3A_128 = arith.cmpi ne, %convert_element_type3A_126, %cond3A_127 : i32
    scf.if %cond3A_128 {
      %dma_wait3A_309 = arith.constant 0 : i32
      %dma_wait3A_310 = arith.constant 0 : i32
      %dma_wait3A_311 = tpu.memref_slice %arg10[%dma_wait3A_309, %dma_wait3A_310] : memref<10000x128xf32, #tpu.memory_space<vmem_shared>> -> memref<80x128xf32, #tpu.memory_space<vmem_shared>>
      %dma_wait3A_312 = arith.constant 0 : i32
      %dma_wait3A_313 = arith.constant 0 : i32
      %dma_wait3A_314 = tpu.memref_slice %arg10[%dma_wait3A_312, %dma_wait3A_313] : memref<10000x128xf32, #tpu.memory_space<vmem_shared>> -> memref<80x128xf32, #tpu.memory_space<vmem_shared>>
      tpu.wait_dma2 semaphore(%arg11 : memref<!tpu.dma_semaphore, #tpu.memory_space<semaphore_mem>>) src(%arg8 : memref<80x128xf32, #tpu.memory_space<vmem>>) dst(%dma_wait3A_314 : memref<80x128xf32, #tpu.memory_space<vmem_shared>>)
    } else {
    }
    %add3A_129 = arith.constant 48 : i32
    %add3A_130 = arith.addi %arg1, %add3A_129 : i32
    %lt3A_131 = arith.constant 125 : i32
    %lt3A_132 = arith.cmpi slt, %add3A_130, %lt3A_131 : i32
    %convert_element_type3A_133 = arith.extui %lt3A_132 : i1 to i32
    %cond3A_134 = arith.constant 0 : i32
    %cond3A_135 = arith.cmpi ne, %convert_element_type3A_133, %cond3A_134 : i32
    scf.if %cond3A_135 {
      %dma_wait3A_309 = arith.constant 0 : i32
      %dma_wait3A_310 = arith.constant 0 : i32
      %dma_wait3A_311 = tpu.memref_slice %arg10[%dma_wait3A_309, %dma_wait3A_310] : memref<10000x128xf32, #tpu.memory_space<vmem_shared>> -> memref<80x128xf32, #tpu.memory_space<vmem_shared>>
      %dma_wait3A_312 = arith.constant 0 : i32
      %dma_wait3A_313 = arith.constant 0 : i32
      %dma_wait3A_314 = tpu.memref_slice %arg10[%dma_wait3A_312, %dma_wait3A_313] : memref<10000x128xf32, #tpu.memory_space<vmem_shared>> -> memref<80x128xf32, #tpu.memory_space<vmem_shared>>
      tpu.wait_dma2 semaphore(%arg11 : memref<!tpu.dma_semaphore, #tpu.memory_space<semaphore_mem>>) src(%arg8 : memref<80x128xf32, #tpu.memory_space<vmem>>) dst(%dma_wait3A_314 : memref<80x128xf32, #tpu.memory_space<vmem_shared>>)
    } else {
    }
    %add3A_136 = arith.constant 64 : i32
    %add3A_137 = arith.addi %arg1, %add3A_136 : i32
    %lt3A_138 = arith.constant 125 : i32
    %lt3A_139 = arith.cmpi slt, %add3A_137, %lt3A_138 : i32
    %convert_element_type3A_140 = arith.extui %lt3A_139 : i1 to i32
    %cond3A_141 = arith.constant 0 : i32
    %cond3A_142 = arith.cmpi ne, %convert_element_type3A_140, %cond3A_141 : i32
    scf.if %cond3A_142 {
      %dma_wait3A_309 = arith.constant 0 : i32
      %dma_wait3A_310 = arith.constant 0 : i32
      %dma_wait3A_311 = tpu.memref_slice %arg10[%dma_wait3A_309, %dma_wait3A_310] : memref<10000x128xf32, #tpu.memory_space<vmem_shared>> -> memref<80x128xf32, #tpu.memory_space<vmem_shared>>
      %dma_wait3A_312 = arith.constant 0 : i32
      %dma_wait3A_313 = arith.constant 0 : i32
      %dma_wait3A_314 = tpu.memref_slice %arg10[%dma_wait3A_312, %dma_wait3A_313] : memref<10000x128xf32, #tpu.memory_space<vmem_shared>> -> memref<80x128xf32, #tpu.memory_space<vmem_shared>>
      tpu.wait_dma2 semaphore(%arg11 : memref<!tpu.dma_semaphore, #tpu.memory_space<semaphore_mem>>) src(%arg8 : memref<80x128xf32, #tpu.memory_space<vmem>>) dst(%dma_wait3A_314 : memref<80x128xf32, #tpu.memory_space<vmem_shared>>)
    } else {
    }
    %add3A_143 = arith.constant 80 : i32
    %add3A_144 = arith.addi %arg1, %add3A_143 : i32
    %lt3A_145 = arith.constant 125 : i32
    %lt3A_146 = arith.cmpi slt, %add3A_144, %lt3A_145 : i32
    %convert_element_type3A_147 = arith.extui %lt3A_146 : i1 to i32
    %cond3A_148 = arith.constant 0 : i32
    %cond3A_149 = arith.cmpi ne, %convert_element_type3A_147, %cond3A_148 : i32
    scf.if %cond3A_149 {
      %dma_wait3A_309 = arith.constant 0 : i32
      %dma_wait3A_310 = arith.constant 0 : i32
      %dma_wait3A_311 = tpu.memref_slice %arg10[%dma_wait3A_309, %dma_wait3A_310] : memref<10000x128xf32, #tpu.memory_space<vmem_shared>> -> memref<80x128xf32, #tpu.memory_space<vmem_shared>>
      %dma_wait3A_312 = arith.constant 0 : i32
      %dma_wait3A_313 = arith.constant 0 : i32
      %dma_wait3A_314 = tpu.memref_slice %arg10[%dma_wait3A_312, %dma_wait3A_313] : memref<10000x128xf32, #tpu.memory_space<vmem_shared>> -> memref<80x128xf32, #tpu.memory_space<vmem_shared>>
      tpu.wait_dma2 semaphore(%arg11 : memref<!tpu.dma_semaphore, #tpu.memory_space<semaphore_mem>>) src(%arg8 : memref<80x128xf32, #tpu.memory_space<vmem>>) dst(%dma_wait3A_314 : memref<80x128xf32, #tpu.memory_space<vmem_shared>>)
    } else {
    }
    %add3A_150 = arith.constant 96 : i32
    %add3A_151 = arith.addi %arg1, %add3A_150 : i32
    %lt3A_152 = arith.constant 125 : i32
    %lt3A_153 = arith.cmpi slt, %add3A_151, %lt3A_152 : i32
    %convert_element_type3A_154 = arith.extui %lt3A_153 : i1 to i32
    %cond3A_155 = arith.constant 0 : i32
    %cond3A_156 = arith.cmpi ne, %convert_element_type3A_154, %cond3A_155 : i32
    scf.if %cond3A_156 {
      %dma_wait3A_309 = arith.constant 0 : i32
      %dma_wait3A_310 = arith.constant 0 : i32
      %dma_wait3A_311 = tpu.memref_slice %arg10[%dma_wait3A_309, %dma_wait3A_310] : memref<10000x128xf32, #tpu.memory_space<vmem_shared>> -> memref<80x128xf32, #tpu.memory_space<vmem_shared>>
      %dma_wait3A_312 = arith.constant 0 : i32
      %dma_wait3A_313 = arith.constant 0 : i32
      %dma_wait3A_314 = tpu.memref_slice %arg10[%dma_wait3A_312, %dma_wait3A_313] : memref<10000x128xf32, #tpu.memory_space<vmem_shared>> -> memref<80x128xf32, #tpu.memory_space<vmem_shared>>
      tpu.wait_dma2 semaphore(%arg11 : memref<!tpu.dma_semaphore, #tpu.memory_space<semaphore_mem>>) src(%arg8 : memref<80x128xf32, #tpu.memory_space<vmem>>) dst(%dma_wait3A_314 : memref<80x128xf32, #tpu.memory_space<vmem_shared>>)
    } else {
    }
    %add3A_157 = arith.constant 112 : i32
    %add3A_158 = arith.addi %arg1, %add3A_157 : i32
    %lt3A_159 = arith.constant 125 : i32
    %lt3A_160 = arith.cmpi slt, %add3A_158, %lt3A_159 : i32
    %convert_element_type3A_161 = arith.extui %lt3A_160 : i1 to i32
    %cond3A_162 = arith.constant 0 : i32
    %cond3A_163 = arith.cmpi ne, %convert_element_type3A_161, %cond3A_162 : i32
    scf.if %cond3A_163 {
      %dma_wait3A_309 = arith.constant 0 : i32
      %dma_wait3A_310 = arith.constant 0 : i32
      %dma_wait3A_311 = tpu.memref_slice %arg10[%dma_wait3A_309, %dma_wait3A_310] : memref<10000x128xf32, #tpu.memory_space<vmem_shared>> -> memref<80x128xf32, #tpu.memory_space<vmem_shared>>
      %dma_wait3A_312 = arith.constant 0 : i32
      %dma_wait3A_313 = arith.constant 0 : i32
      %dma_wait3A_314 = tpu.memref_slice %arg10[%dma_wait3A_312, %dma_wait3A_313] : memref<10000x128xf32, #tpu.memory_space<vmem_shared>> -> memref<80x128xf32, #tpu.memory_space<vmem_shared>>
      tpu.wait_dma2 semaphore(%arg11 : memref<!tpu.dma_semaphore, #tpu.memory_space<semaphore_mem>>) src(%arg8 : memref<80x128xf32, #tpu.memory_space<vmem>>) dst(%dma_wait3A_314 : memref<80x128xf32, #tpu.memory_space<vmem_shared>>)
    } else {
    }
    %dma_start3A_164 = arith.constant 0 : i32
    %dma_start3A_165 = arith.constant 0 : i32
    %dma_start3A_166 = tpu.memref_slice %arg8[%dma_start3A_164, %dma_start3A_165] : memref<80x128xf32, #tpu.memory_space<vmem>> -> memref<40x128xf32, #tpu.memory_space<vmem>>
    %dma_start3A_167 = arith.constant 0 : i32
    %dma_start3A_168 = tpu.memref_slice %arg6[%dma_start3A_167] : memref<10000xi32, #tpu.memory_space<vmem>> -> memref<40xi32, #tpu.memory_space<vmem>>
    %dma_start3A_169 = arith.constant 0 : i32
    %dma_start3A_170 = arith.constant 0 : i32
    %dma_start3A_171 = tpu.memref_slice %arg2[%dma_start3A_169, %dma_start3A_170] : memref<20000x128xf32, #tpu.memory_space<hbm>> -> memref<20000x128xf32, #tpu.memory_space<hbm>>
    tpu.enqueue_indirect_dma source(%dma_start3A_171 : memref<20000x128xf32, #tpu.memory_space<hbm>>) target(%dma_start3A_166 : memref<40x128xf32, #tpu.memory_space<vmem>>) offsets(%dma_start3A_168 : memref<40xi32, #tpu.memory_space<vmem>>) semaphore(%arg11 : memref<!tpu.dma_semaphore, #tpu.memory_space<semaphore_mem>>)
    %dma_start3A_172 = arith.constant 40 : i32
    %dma_start3A_173 = arith.constant 0 : i32
    %dma_start3A_174 = tpu.memref_slice %arg8[%dma_start3A_172, %dma_start3A_173] : memref<80x128xf32, #tpu.memory_space<vmem>> -> memref<40x128xf32, #tpu.memory_space<vmem>>
    %dma_start3A_175 = arith.constant 40 : i32
    %dma_start3A_176 = tpu.memref_slice %arg6[%dma_start3A_175] : memref<10000xi32, #tpu.memory_space<vmem>> -> memref<40xi32, #tpu.memory_space<vmem>>
    %dma_start3A_177 = arith.constant 0 : i32
    %dma_start3A_178 = arith.constant 0 : i32
    %dma_start3A_179 = tpu.memref_slice %arg2[%dma_start3A_177, %dma_start3A_178] : memref<20000x128xf32, #tpu.memory_space<hbm>> -> memref<20000x128xf32, #tpu.memory_space<hbm>>
    tpu.enqueue_indirect_dma source(%dma_start3A_179 : memref<20000x128xf32, #tpu.memory_space<hbm>>) target(%dma_start3A_174 : memref<40x128xf32, #tpu.memory_space<vmem>>) offsets(%dma_start3A_176 : memref<40xi32, #tpu.memory_space<vmem>>) semaphore(%arg12 : memref<!tpu.dma_semaphore, #tpu.memory_space<semaphore_mem>>)
    %barrier3A = arith.constant 0 : index
    tpu.barrier barrier_id(%barrier3A)
    %scan3A_180 = arith.constant 0 : i32
    %scan3A_181 = arith.constant 0 : i32
    %scan3A_182 = arith.constant 61 : i32
    %scan3A_183 = arith.addi %scan3A_181, %scan3A_182 : i32
    %scan3A_184 = arith.constant 1 : i32
    scf.for %scan3A_309 = %scan3A_181 to %scan3A_183 step %scan3A_184  : i32 {
      %mul3A_310 = arith.constant 2 : i32
      %mul3A_311 = arith.muli %scan3A_309, %mul3A_310 : i32
      %dma_wait3A_312 = arith.constant 0 : i32
      %dma_wait3A_313 = arith.constant 0 : i32
      %dma_wait3A_314 = tpu.memref_slice %arg8[%dma_wait3A_312, %dma_wait3A_313] : memref<80x128xf32, #tpu.memory_space<vmem>> -> memref<40x128xf32, #tpu.memory_space<vmem>>
      %dma_wait3A_315 = arith.constant 0 : i32
      %dma_wait3A_316 = tpu.memref_slice %arg6[%dma_wait3A_315] : memref<10000xi32, #tpu.memory_space<vmem>> -> memref<40xi32, #tpu.memory_space<vmem>>
      %dma_wait3A_317 = arith.constant 0 : i32
      %dma_wait3A_318 = arith.constant 0 : i32
      %dma_wait3A_319 = tpu.memref_slice %arg2[%dma_wait3A_317, %dma_wait3A_318] : memref<20000x128xf32, #tpu.memory_space<hbm>> -> memref<20000x128xf32, #tpu.memory_space<hbm>>
      tpu.wait_indirect_dma semaphore(%arg11 : memref<!tpu.dma_semaphore, #tpu.memory_space<semaphore_mem>>) src(%dma_wait3A_319 : memref<20000x128xf32, #tpu.memory_space<hbm>>) dst(%dma_wait3A_314 : memref<40x128xf32, #tpu.memory_space<vmem>>)
      %dma_wait3A_320 = arith.constant 40 : i32
      %dma_wait3A_321 = arith.constant 0 : i32
      %dma_wait3A_322 = tpu.memref_slice %arg8[%dma_wait3A_320, %dma_wait3A_321] : memref<80x128xf32, #tpu.memory_space<vmem>> -> memref<40x128xf32, #tpu.memory_space<vmem>>
      %dma_wait3A_323 = arith.constant 0 : i32
      %dma_wait3A_324 = tpu.memref_slice %arg6[%dma_wait3A_323] : memref<10000xi32, #tpu.memory_space<vmem>> -> memref<40xi32, #tpu.memory_space<vmem>>
      %dma_wait3A_325 = arith.constant 0 : i32
      %dma_wait3A_326 = arith.constant 0 : i32
      %dma_wait3A_327 = tpu.memref_slice %arg2[%dma_wait3A_325, %dma_wait3A_326] : memref<20000x128xf32, #tpu.memory_space<hbm>> -> memref<20000x128xf32, #tpu.memory_space<hbm>>
      tpu.wait_indirect_dma semaphore(%arg12 : memref<!tpu.dma_semaphore, #tpu.memory_space<semaphore_mem>>) src(%dma_wait3A_327 : memref<20000x128xf32, #tpu.memory_space<hbm>>) dst(%dma_wait3A_322 : memref<40x128xf32, #tpu.memory_space<vmem>>)
      %add3A_328 = arith.constant 0 : i32
      %add3A_329 = arith.addi %mul3A_311, %add3A_328 : i32
      "tpu.region"() ({
        %run_scoped3A_400 = tpu.sem_alloc : memref<!tpu.dma_semaphore, #tpu.memory_space<semaphore_mem>>
        %dma_start3A_401 = arith.constant 0 : i32
        %dma_start3A_402 = tpu.memref_slice %arg7[%add3A_329, %dma_start3A_401] : memref<125x80xi32, #tpu.memory_space<vmem>> -> memref<1x80xi32, #tpu.memory_space<vmem>>
        %dma_start3A_403 = tpu.memref_squeeze %dma_start3A_402 : memref<1x80xi32, #tpu.memory_space<vmem>> -> memref<80xi32, #tpu.memory_space<vmem>>
        %dma_start3A_404 = arith.constant 0 : i32
        %dma_start3A_405 = arith.constant 0 : i32
        %dma_start3A_406 = tpu.memref_slice %arg10[%dma_start3A_404, %dma_start3A_405] : memref<10000x128xf32, #tpu.memory_space<vmem_shared>> -> memref<10000x128xf32, #tpu.memory_space<vmem_shared>>
        tpu.enqueue_indirect_dma source(%arg8 : memref<80x128xf32, #tpu.memory_space<vmem>>) target(%dma_start3A_406 : memref<10000x128xf32, #tpu.memory_space<vmem_shared>>) offsets(%dma_start3A_403 : memref<80xi32, #tpu.memory_space<vmem>>) semaphore(%run_scoped3A_400 : memref<!tpu.dma_semaphore, #tpu.memory_space<semaphore_mem>>) {add = true}
        %dma_wait3A_407 = arith.constant 0 : i32
        %dma_wait3A_408 = tpu.memref_slice %arg7[%add3A_329, %dma_wait3A_407] : memref<125x80xi32, #tpu.memory_space<vmem>> -> memref<1x80xi32, #tpu.memory_space<vmem>>
        %dma_wait3A_409 = tpu.memref_squeeze %dma_wait3A_408 : memref<1x80xi32, #tpu.memory_space<vmem>> -> memref<80xi32, #tpu.memory_space<vmem>>
        %dma_wait3A_410 = arith.constant 0 : i32
        %dma_wait3A_411 = arith.constant 0 : i32
        %dma_wait3A_412 = tpu.memref_slice %arg10[%dma_wait3A_410, %dma_wait3A_411] : memref<10000x128xf32, #tpu.memory_space<vmem_shared>> -> memref<10000x128xf32, #tpu.memory_space<vmem_shared>>
        tpu.wait_indirect_dma semaphore(%run_scoped3A_400 : memref<!tpu.dma_semaphore, #tpu.memory_space<semaphore_mem>>) src(%arg8 : memref<80x128xf32, #tpu.memory_space<vmem>>) dst(%dma_wait3A_412 : memref<10000x128xf32, #tpu.memory_space<vmem_shared>>)
        tpu.yield
      }) : () -> ()
      %add3A_330 = arith.constant 2 : i32
      %add3A_331 = arith.addi %mul3A_311, %add3A_330 : i32
      %add3A_332 = arith.constant 0 : i32
      %add3A_333 = arith.addi %add3A_331, %add3A_332 : i32
      %mul3A_334 = arith.constant 80 : i32
      %mul3A_335 = arith.muli %add3A_333, %mul3A_334 : i32
      %add3A_336 = arith.constant 0 : i32
      %add3A_337 = arith.addi %mul3A_335, %add3A_336 : i32
      %dma_start3A_338 = arith.constant 0 : i32
      %dma_start3A_339 = arith.constant 0 : i32
      %dma_start3A_340 = tpu.memref_slice %arg8[%dma_start3A_338, %dma_start3A_339] : memref<80x128xf32, #tpu.memory_space<vmem>> -> memref<40x128xf32, #tpu.memory_space<vmem>>
      %dma_start3A_341 = tpu.memref_slice %arg6[%add3A_337] : memref<10000xi32, #tpu.memory_space<vmem>> -> memref<40xi32, #tpu.memory_space<vmem>>
      %dma_start3A_342 = arith.constant 0 : i32
      %dma_start3A_343 = arith.constant 0 : i32
      %dma_start3A_344 = tpu.memref_slice %arg2[%dma_start3A_342, %dma_start3A_343] : memref<20000x128xf32, #tpu.memory_space<hbm>> -> memref<20000x128xf32, #tpu.memory_space<hbm>>
      tpu.enqueue_indirect_dma source(%dma_start3A_344 : memref<20000x128xf32, #tpu.memory_space<hbm>>) target(%dma_start3A_340 : memref<40x128xf32, #tpu.memory_space<vmem>>) offsets(%dma_start3A_341 : memref<40xi32, #tpu.memory_space<vmem>>) semaphore(%arg11 : memref<!tpu.dma_semaphore, #tpu.memory_space<semaphore_mem>>)
      %mul3A_345 = arith.constant 80 : i32
      %mul3A_346 = arith.muli %add3A_333, %mul3A_345 : i32
      %add3A_347 = arith.constant 40 : i32
      %add3A_348 = arith.addi %mul3A_346, %add3A_347 : i32
      %dma_start3A_349 = arith.constant 40 : i32
      %dma_start3A_350 = arith.constant 0 : i32
      %dma_start3A_351 = tpu.memref_slice %arg8[%dma_start3A_349, %dma_start3A_350] : memref<80x128xf32, #tpu.memory_space<vmem>> -> memref<40x128xf32, #tpu.memory_space<vmem>>
      %dma_start3A_352 = tpu.memref_slice %arg6[%add3A_348] : memref<10000xi32, #tpu.memory_space<vmem>> -> memref<40xi32, #tpu.memory_space<vmem>>
      %dma_start3A_353 = arith.constant 0 : i32
      %dma_start3A_354 = arith.constant 0 : i32
      %dma_start3A_355 = tpu.memref_slice %arg2[%dma_start3A_353, %dma_start3A_354] : memref<20000x128xf32, #tpu.memory_space<hbm>> -> memref<20000x128xf32, #tpu.memory_space<hbm>>
      tpu.enqueue_indirect_dma source(%dma_start3A_355 : memref<20000x128xf32, #tpu.memory_space<hbm>>) target(%dma_start3A_351 : memref<40x128xf32, #tpu.memory_space<vmem>>) offsets(%dma_start3A_352 : memref<40xi32, #tpu.memory_space<vmem>>) semaphore(%arg12 : memref<!tpu.dma_semaphore, #tpu.memory_space<semaphore_mem>>)
      %dma_wait3A_356 = arith.constant 0 : i32
      %dma_wait3A_357 = arith.constant 0 : i32
      %dma_wait3A_358 = tpu.memref_slice %arg9[%dma_wait3A_356, %dma_wait3A_357] : memref<80x128xf32, #tpu.memory_space<vmem>> -> memref<40x128xf32, #tpu.memory_space<vmem>>
      %dma_wait3A_359 = arith.constant 0 : i32
      %dma_wait3A_360 = tpu.memref_slice %arg6[%dma_wait3A_359] : memref<10000xi32, #tpu.memory_space<vmem>> -> memref<40xi32, #tpu.memory_space<vmem>>
      %dma_wait3A_361 = arith.constant 0 : i32
      %dma_wait3A_362 = arith.constant 0 : i32
      %dma_wait3A_363 = tpu.memref_slice %arg2[%dma_wait3A_361, %dma_wait3A_362] : memref<20000x128xf32, #tpu.memory_space<hbm>> -> memref<20000x128xf32, #tpu.memory_space<hbm>>
      tpu.wait_indirect_dma semaphore(%arg13 : memref<!tpu.dma_semaphore, #tpu.memory_space<semaphore_mem>>) src(%dma_wait3A_363 : memref<20000x128xf32, #tpu.memory_space<hbm>>) dst(%dma_wait3A_358 : memref<40x128xf32, #tpu.memory_space<vmem>>)
      %dma_wait3A_364 = arith.constant 40 : i32
      %dma_wait3A_365 = arith.constant 0 : i32
      %dma_wait3A_366 = tpu.memref_slice %arg9[%dma_wait3A_364, %dma_wait3A_365] : memref<80x128xf32, #tpu.memory_space<vmem>> -> memref<40x128xf32, #tpu.memory_space<vmem>>
      %dma_wait3A_367 = arith.constant 0 : i32
      %dma_wait3A_368 = tpu.memref_slice %arg6[%dma_wait3A_367] : memref<10000xi32, #tpu.memory_space<vmem>> -> memref<40xi32, #tpu.memory_space<vmem>>
      %dma_wait3A_369 = arith.constant 0 : i32
      %dma_wait3A_370 = arith.constant 0 : i32
      %dma_wait3A_371 = tpu.memref_slice %arg2[%dma_wait3A_369, %dma_wait3A_370] : memref<20000x128xf32, #tpu.memory_space<hbm>> -> memref<20000x128xf32, #tpu.memory_space<hbm>>
      tpu.wait_indirect_dma semaphore(%arg14 : memref<!tpu.dma_semaphore, #tpu.memory_space<semaphore_mem>>) src(%dma_wait3A_371 : memref<20000x128xf32, #tpu.memory_space<hbm>>) dst(%dma_wait3A_366 : memref<40x128xf32, #tpu.memory_space<vmem>>)
      %add3A_372 = arith.constant 1 : i32
      %add3A_373 = arith.addi %mul3A_311, %add3A_372 : i32
      "tpu.region"() ({
        %run_scoped3A_400 = tpu.sem_alloc : memref<!tpu.dma_semaphore, #tpu.memory_space<semaphore_mem>>
        %dma_start3A_401 = arith.constant 0 : i32
        %dma_start3A_402 = tpu.memref_slice %arg7[%add3A_373, %dma_start3A_401] : memref<125x80xi32, #tpu.memory_space<vmem>> -> memref<1x80xi32, #tpu.memory_space<vmem>>
        %dma_start3A_403 = tpu.memref_squeeze %dma_start3A_402 : memref<1x80xi32, #tpu.memory_space<vmem>> -> memref<80xi32, #tpu.memory_space<vmem>>
        %dma_start3A_404 = arith.constant 0 : i32
        %dma_start3A_405 = arith.constant 0 : i32
        %dma_start3A_406 = tpu.memref_slice %arg10[%dma_start3A_404, %dma_start3A_405] : memref<10000x128xf32, #tpu.memory_space<vmem_shared>> -> memref<10000x128xf32, #tpu.memory_space<vmem_shared>>
        tpu.enqueue_indirect_dma source(%arg9 : memref<80x128xf32, #tpu.memory_space<vmem>>) target(%dma_start3A_406 : memref<10000x128xf32, #tpu.memory_space<vmem_shared>>) offsets(%dma_start3A_403 : memref<80xi32, #tpu.memory_space<vmem>>) semaphore(%run_scoped3A_400 : memref<!tpu.dma_semaphore, #tpu.memory_space<semaphore_mem>>) {add = true}
        %dma_wait3A_407 = arith.constant 0 : i32
        %dma_wait3A_408 = tpu.memref_slice %arg7[%add3A_373, %dma_wait3A_407] : memref<125x80xi32, #tpu.memory_space<vmem>> -> memref<1x80xi32, #tpu.memory_space<vmem>>
        %dma_wait3A_409 = tpu.memref_squeeze %dma_wait3A_408 : memref<1x80xi32, #tpu.memory_space<vmem>> -> memref<80xi32, #tpu.memory_space<vmem>>
        %dma_wait3A_410 = arith.constant 0 : i32
        %dma_wait3A_411 = arith.constant 0 : i32
        %dma_wait3A_412 = tpu.memref_slice %arg10[%dma_wait3A_410, %dma_wait3A_411] : memref<10000x128xf32, #tpu.memory_space<vmem_shared>> -> memref<10000x128xf32, #tpu.memory_space<vmem_shared>>
        tpu.wait_indirect_dma semaphore(%run_scoped3A_400 : memref<!tpu.dma_semaphore, #tpu.memory_space<semaphore_mem>>) src(%arg9 : memref<80x128xf32, #tpu.memory_space<vmem>>) dst(%dma_wait3A_412 : memref<10000x128xf32, #tpu.memory_space<vmem_shared>>)
        tpu.yield
      }) : () -> ()
      %add3A_374 = arith.constant 2 : i32
      %add3A_375 = arith.addi %mul3A_311, %add3A_374 : i32
      %add3A_376 = arith.constant 1 : i32
      %add3A_377 = arith.addi %add3A_375, %add3A_376 : i32
      %mul3A_378 = arith.constant 80 : i32
      %mul3A_379 = arith.muli %add3A_377, %mul3A_378 : i32
      %add3A_380 = arith.constant 0 : i32
      %add3A_381 = arith.addi %mul3A_379, %add3A_380 : i32
      %dma_start3A_382 = arith.constant 0 : i32
      %dma_start3A_383 = arith.constant 0 : i32
      %dma_start3A_384 = tpu.memref_slice %arg9[%dma_start3A_382, %dma_start3A_383] : memref<80x128xf32, #tpu.memory_space<vmem>> -> memref<40x128xf32, #tpu.memory_space<vmem>>
      %dma_start3A_385 = tpu.memref_slice %arg6[%add3A_381] : memref<10000xi32, #tpu.memory_space<vmem>> -> memref<40xi32, #tpu.memory_space<vmem>>
      %dma_start3A_386 = arith.constant 0 : i32
      %dma_start3A_387 = arith.constant 0 : i32
      %dma_start3A_388 = tpu.memref_slice %arg2[%dma_start3A_386, %dma_start3A_387] : memref<20000x128xf32, #tpu.memory_space<hbm>> -> memref<20000x128xf32, #tpu.memory_space<hbm>>
      tpu.enqueue_indirect_dma source(%dma_start3A_388 : memref<20000x128xf32, #tpu.memory_space<hbm>>) target(%dma_start3A_384 : memref<40x128xf32, #tpu.memory_space<vmem>>) offsets(%dma_start3A_385 : memref<40xi32, #tpu.memory_space<vmem>>) semaphore(%arg13 : memref<!tpu.dma_semaphore, #tpu.memory_space<semaphore_mem>>)
      %mul3A_389 = arith.constant 80 : i32
      %mul3A_390 = arith.muli %add3A_377, %mul3A_389 : i32
      %add3A_391 = arith.constant 40 : i32
      %add3A_392 = arith.addi %mul3A_390, %add3A_391 : i32
      %dma_start3A_393 = arith.constant 40 : i32
      %dma_start3A_394 = arith.constant 0 : i32
      %dma_start3A_395 = tpu.memref_slice %arg9[%dma_start3A_393, %dma_start3A_394] : memref<80x128xf32, #tpu.memory_space<vmem>> -> memref<40x128xf32, #tpu.memory_space<vmem>>
      %dma_start3A_396 = tpu.memref_slice %arg6[%add3A_392] : memref<10000xi32, #tpu.memory_space<vmem>> -> memref<40xi32, #tpu.memory_space<vmem>>
      %dma_start3A_397 = arith.constant 0 : i32
      %dma_start3A_398 = arith.constant 0 : i32
      %dma_start3A_399 = tpu.memref_slice %arg2[%dma_start3A_397, %dma_start3A_398] : memref<20000x128xf32, #tpu.memory_space<hbm>> -> memref<20000x128xf32, #tpu.memory_space<hbm>>
      tpu.enqueue_indirect_dma source(%dma_start3A_399 : memref<20000x128xf32, #tpu.memory_space<hbm>>) target(%dma_start3A_395 : memref<40x128xf32, #tpu.memory_space<vmem>>) offsets(%dma_start3A_396 : memref<40xi32, #tpu.memory_space<vmem>>) semaphore(%arg14 : memref<!tpu.dma_semaphore, #tpu.memory_space<semaphore_mem>>)
    }
    %scan3A_185 = arith.constant 61 : i32
    %dma_wait3A_186 = arith.constant 0 : i32
    %dma_wait3A_187 = arith.constant 0 : i32
    %dma_wait3A_188 = tpu.memref_slice %arg8[%dma_wait3A_186, %dma_wait3A_187] : memref<80x128xf32, #tpu.memory_space<vmem>> -> memref<40x128xf32, #tpu.memory_space<vmem>>
    %dma_wait3A_189 = arith.constant 0 : i32
    %dma_wait3A_190 = tpu.memref_slice %arg6[%dma_wait3A_189] : memref<10000xi32, #tpu.memory_space<vmem>> -> memref<40xi32, #tpu.memory_space<vmem>>
    %dma_wait3A_191 = arith.constant 0 : i32
    %dma_wait3A_192 = arith.constant 0 : i32
    %dma_wait3A_193 = tpu.memref_slice %arg2[%dma_wait3A_191, %dma_wait3A_192] : memref<20000x128xf32, #tpu.memory_space<hbm>> -> memref<20000x128xf32, #tpu.memory_space<hbm>>
    tpu.wait_indirect_dma semaphore(%arg11 : memref<!tpu.dma_semaphore, #tpu.memory_space<semaphore_mem>>) src(%dma_wait3A_193 : memref<20000x128xf32, #tpu.memory_space<hbm>>) dst(%dma_wait3A_188 : memref<40x128xf32, #tpu.memory_space<vmem>>)
    %dma_wait3A_194 = arith.constant 40 : i32
    %dma_wait3A_195 = arith.constant 0 : i32
    %dma_wait3A_196 = tpu.memref_slice %arg8[%dma_wait3A_194, %dma_wait3A_195] : memref<80x128xf32, #tpu.memory_space<vmem>> -> memref<40x128xf32, #tpu.memory_space<vmem>>
    %dma_wait3A_197 = arith.constant 0 : i32
    %dma_wait3A_198 = tpu.memref_slice %arg6[%dma_wait3A_197] : memref<10000xi32, #tpu.memory_space<vmem>> -> memref<40xi32, #tpu.memory_space<vmem>>
    %dma_wait3A_199 = arith.constant 0 : i32
    %dma_wait3A_200 = arith.constant 0 : i32
    %dma_wait3A_201 = tpu.memref_slice %arg2[%dma_wait3A_199, %dma_wait3A_200] : memref<20000x128xf32, #tpu.memory_space<hbm>> -> memref<20000x128xf32, #tpu.memory_space<hbm>>
    tpu.wait_indirect_dma semaphore(%arg12 : memref<!tpu.dma_semaphore, #tpu.memory_space<semaphore_mem>>) src(%dma_wait3A_201 : memref<20000x128xf32, #tpu.memory_space<hbm>>) dst(%dma_wait3A_196 : memref<40x128xf32, #tpu.memory_space<vmem>>)
    %run_scoped3A = arith.constant 122 : i32
    "tpu.region"() ({
      %run_scoped3A_309 = tpu.sem_alloc : memref<!tpu.dma_semaphore, #tpu.memory_space<semaphore_mem>>
      %dma_start3A_310 = arith.constant 0 : i32
      %dma_start3A_311 = tpu.memref_slice %arg7[%run_scoped3A, %dma_start3A_310] : memref<125x80xi32, #tpu.memory_space<vmem>> -> memref<1x80xi32, #tpu.memory_space<vmem>>
      %dma_start3A_312 = tpu.memref_squeeze %dma_start3A_311 : memref<1x80xi32, #tpu.memory_space<vmem>> -> memref<80xi32, #tpu.memory_space<vmem>>
      %dma_start3A_313 = arith.constant 0 : i32
      %dma_start3A_314 = arith.constant 0 : i32
      %dma_start3A_315 = tpu.memref_slice %arg10[%dma_start3A_313, %dma_start3A_314] : memref<10000x128xf32, #tpu.memory_space<vmem_shared>> -> memref<10000x128xf32, #tpu.memory_space<vmem_shared>>
      tpu.enqueue_indirect_dma source(%arg8 : memref<80x128xf32, #tpu.memory_space<vmem>>) target(%dma_start3A_315 : memref<10000x128xf32, #tpu.memory_space<vmem_shared>>) offsets(%dma_start3A_312 : memref<80xi32, #tpu.memory_space<vmem>>) semaphore(%run_scoped3A_309 : memref<!tpu.dma_semaphore, #tpu.memory_space<semaphore_mem>>) {add = true}
      %dma_wait3A_316 = arith.constant 0 : i32
      %dma_wait3A_317 = tpu.memref_slice %arg7[%run_scoped3A, %dma_wait3A_316] : memref<125x80xi32, #tpu.memory_space<vmem>> -> memref<1x80xi32, #tpu.memory_space<vmem>>
      %dma_wait3A_318 = tpu.memref_squeeze %dma_wait3A_317 : memref<1x80xi32, #tpu.memory_space<vmem>> -> memref<80xi32, #tpu.memory_space<vmem>>
      %dma_wait3A_319 = arith.constant 0 : i32
      %dma_wait3A_320 = arith.constant 0 : i32
      %dma_wait3A_321 = tpu.memref_slice %arg10[%dma_wait3A_319, %dma_wait3A_320] : memref<10000x128xf32, #tpu.memory_space<vmem_shared>> -> memref<10000x128xf32, #tpu.memory_space<vmem_shared>>
      tpu.wait_indirect_dma semaphore(%run_scoped3A_309 : memref<!tpu.dma_semaphore, #tpu.memory_space<semaphore_mem>>) src(%arg8 : memref<80x128xf32, #tpu.memory_space<vmem>>) dst(%dma_wait3A_321 : memref<10000x128xf32, #tpu.memory_space<vmem_shared>>)
      tpu.yield
    }) : () -> ()
    %dma_start3A_202 = arith.constant 0 : i32
    %dma_start3A_203 = arith.constant 0 : i32
    %dma_start3A_204 = tpu.memref_slice %arg8[%dma_start3A_202, %dma_start3A_203] : memref<80x128xf32, #tpu.memory_space<vmem>> -> memref<40x128xf32, #tpu.memory_space<vmem>>
    %dma_start3A_205 = arith.constant 9920 : i32
    %dma_start3A_206 = tpu.memref_slice %arg6[%dma_start3A_205] : memref<10000xi32, #tpu.memory_space<vmem>> -> memref<40xi32, #tpu.memory_space<vmem>>
    %dma_start3A_207 = arith.constant 0 : i32
    %dma_start3A_208 = arith.constant 0 : i32
    %dma_start3A_209 = tpu.memref_slice %arg2[%dma_start3A_207, %dma_start3A_208] : memref<20000x128xf32, #tpu.memory_space<hbm>> -> memref<20000x128xf32, #tpu.memory_space<hbm>>
    tpu.enqueue_indirect_dma source(%dma_start3A_209 : memref<20000x128xf32, #tpu.memory_space<hbm>>) target(%dma_start3A_204 : memref<40x128xf32, #tpu.memory_space<vmem>>) offsets(%dma_start3A_206 : memref<40xi32, #tpu.memory_space<vmem>>) semaphore(%arg11 : memref<!tpu.dma_semaphore, #tpu.memory_space<semaphore_mem>>)
    %dma_start3A_210 = arith.constant 40 : i32
    %dma_start3A_211 = arith.constant 0 : i32
    %dma_start3A_212 = tpu.memref_slice %arg8[%dma_start3A_210, %dma_start3A_211] : memref<80x128xf32, #tpu.memory_space<vmem>> -> memref<40x128xf32, #tpu.memory_space<vmem>>
    %dma_start3A_213 = arith.constant 9960 : i32
    %dma_start3A_214 = tpu.memref_slice %arg6[%dma_start3A_213] : memref<10000xi32, #tpu.memory_space<vmem>> -> memref<40xi32, #tpu.memory_space<vmem>>
    %dma_start3A_215 = arith.constant 0 : i32
    %dma_start3A_216 = arith.constant 0 : i32
    %dma_start3A_217 = tpu.memref_slice %arg2[%dma_start3A_215, %dma_start3A_216] : memref<20000x128xf32, #tpu.memory_space<hbm>> -> memref<20000x128xf32, #tpu.memory_space<hbm>>
    tpu.enqueue_indirect_dma source(%dma_start3A_217 : memref<20000x128xf32, #tpu.memory_space<hbm>>) target(%dma_start3A_212 : memref<40x128xf32, #tpu.memory_space<vmem>>) offsets(%dma_start3A_214 : memref<40xi32, #tpu.memory_space<vmem>>) semaphore(%arg12 : memref<!tpu.dma_semaphore, #tpu.memory_space<semaphore_mem>>)
    %dma_wait3A_218 = arith.constant 0 : i32
    %dma_wait3A_219 = arith.constant 0 : i32
    %dma_wait3A_220 = tpu.memref_slice %arg9[%dma_wait3A_218, %dma_wait3A_219] : memref<80x128xf32, #tpu.memory_space<vmem>> -> memref<40x128xf32, #tpu.memory_space<vmem>>
    %dma_wait3A_221 = arith.constant 0 : i32
    %dma_wait3A_222 = tpu.memref_slice %arg6[%dma_wait3A_221] : memref<10000xi32, #tpu.memory_space<vmem>> -> memref<40xi32, #tpu.memory_space<vmem>>
    %dma_wait3A_223 = arith.constant 0 : i32
    %dma_wait3A_224 = arith.constant 0 : i32
    %dma_wait3A_225 = tpu.memref_slice %arg2[%dma_wait3A_223, %dma_wait3A_224] : memref<20000x128xf32, #tpu.memory_space<hbm>> -> memref<20000x128xf32, #tpu.memory_space<hbm>>
    tpu.wait_indirect_dma semaphore(%arg13 : memref<!tpu.dma_semaphore, #tpu.memory_space<semaphore_mem>>) src(%dma_wait3A_225 : memref<20000x128xf32, #tpu.memory_space<hbm>>) dst(%dma_wait3A_220 : memref<40x128xf32, #tpu.memory_space<vmem>>)
    %dma_wait3A_226 = arith.constant 40 : i32
    %dma_wait3A_227 = arith.constant 0 : i32
    %dma_wait3A_228 = tpu.memref_slice %arg9[%dma_wait3A_226, %dma_wait3A_227] : memref<80x128xf32, #tpu.memory_space<vmem>> -> memref<40x128xf32, #tpu.memory_space<vmem>>
    %dma_wait3A_229 = arith.constant 0 : i32
    %dma_wait3A_230 = tpu.memref_slice %arg6[%dma_wait3A_229] : memref<10000xi32, #tpu.memory_space<vmem>> -> memref<40xi32, #tpu.memory_space<vmem>>
    %dma_wait3A_231 = arith.constant 0 : i32
    %dma_wait3A_232 = arith.constant 0 : i32
    %dma_wait3A_233 = tpu.memref_slice %arg2[%dma_wait3A_231, %dma_wait3A_232] : memref<20000x128xf32, #tpu.memory_space<hbm>> -> memref<20000x128xf32, #tpu.memory_space<hbm>>
    tpu.wait_indirect_dma semaphore(%arg14 : memref<!tpu.dma_semaphore, #tpu.memory_space<semaphore_mem>>) src(%dma_wait3A_233 : memref<20000x128xf32, #tpu.memory_space<hbm>>) dst(%dma_wait3A_228 : memref<40x128xf32, #tpu.memory_space<vmem>>)
    %run_scoped3A_234 = arith.constant 123 : i32
    "tpu.region"() ({
      %run_scoped3A_309 = tpu.sem_alloc : memref<!tpu.dma_semaphore, #tpu.memory_space<semaphore_mem>>
      %dma_start3A_310 = arith.constant 0 : i32
      %dma_start3A_311 = tpu.memref_slice %arg7[%run_scoped3A_234, %dma_start3A_310] : memref<125x80xi32, #tpu.memory_space<vmem>> -> memref<1x80xi32, #tpu.memory_space<vmem>>
      %dma_start3A_312 = tpu.memref_squeeze %dma_start3A_311 : memref<1x80xi32, #tpu.memory_space<vmem>> -> memref<80xi32, #tpu.memory_space<vmem>>
      %dma_start3A_313 = arith.constant 0 : i32
      %dma_start3A_314 = arith.constant 0 : i32
      %dma_start3A_315 = tpu.memref_slice %arg10[%dma_start3A_313, %dma_start3A_314] : memref<10000x128xf32, #tpu.memory_space<vmem_shared>> -> memref<10000x128xf32, #tpu.memory_space<vmem_shared>>
      tpu.enqueue_indirect_dma source(%arg9 : memref<80x128xf32, #tpu.memory_space<vmem>>) target(%dma_start3A_315 : memref<10000x128xf32, #tpu.memory_space<vmem_shared>>) offsets(%dma_start3A_312 : memref<80xi32, #tpu.memory_space<vmem>>) semaphore(%run_scoped3A_309 : memref<!tpu.dma_semaphore, #tpu.memory_space<semaphore_mem>>) {add = true}
      %dma_wait3A_316 = arith.constant 0 : i32
      %dma_wait3A_317 = tpu.memref_slice %arg7[%run_scoped3A_234, %dma_wait3A_316] : memref<125x80xi32, #tpu.memory_space<vmem>> -> memref<1x80xi32, #tpu.memory_space<vmem>>
      %dma_wait3A_318 = tpu.memref_squeeze %dma_wait3A_317 : memref<1x80xi32, #tpu.memory_space<vmem>> -> memref<80xi32, #tpu.memory_space<vmem>>
      %dma_wait3A_319 = arith.constant 0 : i32
      %dma_wait3A_320 = arith.constant 0 : i32
      %dma_wait3A_321 = tpu.memref_slice %arg10[%dma_wait3A_319, %dma_wait3A_320] : memref<10000x128xf32, #tpu.memory_space<vmem_shared>> -> memref<10000x128xf32, #tpu.memory_space<vmem_shared>>
      tpu.wait_indirect_dma semaphore(%run_scoped3A_309 : memref<!tpu.dma_semaphore, #tpu.memory_space<semaphore_mem>>) src(%arg9 : memref<80x128xf32, #tpu.memory_space<vmem>>) dst(%dma_wait3A_321 : memref<10000x128xf32, #tpu.memory_space<vmem_shared>>)
      tpu.yield
    }) : () -> ()
    %dma_wait3A_235 = arith.constant 0 : i32
    %dma_wait3A_236 = arith.constant 0 : i32
    %dma_wait3A_237 = tpu.memref_slice %arg8[%dma_wait3A_235, %dma_wait3A_236] : memref<80x128xf32, #tpu.memory_space<vmem>> -> memref<40x128xf32, #tpu.memory_space<vmem>>
    %dma_wait3A_238 = arith.constant 0 : i32
    %dma_wait3A_239 = tpu.memref_slice %arg6[%dma_wait3A_238] : memref<10000xi32, #tpu.memory_space<vmem>> -> memref<40xi32, #tpu.memory_space<vmem>>
    %dma_wait3A_240 = arith.constant 0 : i32
    %dma_wait3A_241 = arith.constant 0 : i32
    %dma_wait3A_242 = tpu.memref_slice %arg2[%dma_wait3A_240, %dma_wait3A_241] : memref<20000x128xf32, #tpu.memory_space<hbm>> -> memref<20000x128xf32, #tpu.memory_space<hbm>>
    tpu.wait_indirect_dma semaphore(%arg11 : memref<!tpu.dma_semaphore, #tpu.memory_space<semaphore_mem>>) src(%dma_wait3A_242 : memref<20000x128xf32, #tpu.memory_space<hbm>>) dst(%dma_wait3A_237 : memref<40x128xf32, #tpu.memory_space<vmem>>)
    %dma_wait3A_243 = arith.constant 40 : i32
    %dma_wait3A_244 = arith.constant 0 : i32
    %dma_wait3A_245 = tpu.memref_slice %arg8[%dma_wait3A_243, %dma_wait3A_244] : memref<80x128xf32, #tpu.memory_space<vmem>> -> memref<40x128xf32, #tpu.memory_space<vmem>>
    %dma_wait3A_246 = arith.constant 0 : i32
    %dma_wait3A_247 = tpu.memref_slice %arg6[%dma_wait3A_246] : memref<10000xi32, #tpu.memory_space<vmem>> -> memref<40xi32, #tpu.memory_space<vmem>>
    %dma_wait3A_248 = arith.constant 0 : i32
    %dma_wait3A_249 = arith.constant 0 : i32
    %dma_wait3A_250 = tpu.memref_slice %arg2[%dma_wait3A_248, %dma_wait3A_249] : memref<20000x128xf32, #tpu.memory_space<hbm>> -> memref<20000x128xf32, #tpu.memory_space<hbm>>
    tpu.wait_indirect_dma semaphore(%arg12 : memref<!tpu.dma_semaphore, #tpu.memory_space<semaphore_mem>>) src(%dma_wait3A_250 : memref<20000x128xf32, #tpu.memory_space<hbm>>) dst(%dma_wait3A_245 : memref<40x128xf32, #tpu.memory_space<vmem>>)
    %run_scoped3A_251 = arith.constant 124 : i32
    "tpu.region"() ({
      %run_scoped3A_309 = tpu.sem_alloc : memref<!tpu.dma_semaphore, #tpu.memory_space<semaphore_mem>>
      %dma_start3A_310 = arith.constant 0 : i32
      %dma_start3A_311 = tpu.memref_slice %arg7[%run_scoped3A_251, %dma_start3A_310] : memref<125x80xi32, #tpu.memory_space<vmem>> -> memref<1x80xi32, #tpu.memory_space<vmem>>
      %dma_start3A_312 = tpu.memref_squeeze %dma_start3A_311 : memref<1x80xi32, #tpu.memory_space<vmem>> -> memref<80xi32, #tpu.memory_space<vmem>>
      %dma_start3A_313 = arith.constant 0 : i32
      %dma_start3A_314 = arith.constant 0 : i32
      %dma_start3A_315 = tpu.memref_slice %arg10[%dma_start3A_313, %dma_start3A_314] : memref<10000x128xf32, #tpu.memory_space<vmem_shared>> -> memref<10000x128xf32, #tpu.memory_space<vmem_shared>>
      tpu.enqueue_indirect_dma source(%arg8 : memref<80x128xf32, #tpu.memory_space<vmem>>) target(%dma_start3A_315 : memref<10000x128xf32, #tpu.memory_space<vmem_shared>>) offsets(%dma_start3A_312 : memref<80xi32, #tpu.memory_space<vmem>>) semaphore(%run_scoped3A_309 : memref<!tpu.dma_semaphore, #tpu.memory_space<semaphore_mem>>) {add = true}
      %dma_wait3A_316 = arith.constant 0 : i32
      %dma_wait3A_317 = tpu.memref_slice %arg7[%run_scoped3A_251, %dma_wait3A_316] : memref<125x80xi32, #tpu.memory_space<vmem>> -> memref<1x80xi32, #tpu.memory_space<vmem>>
      %dma_wait3A_318 = tpu.memref_squeeze %dma_wait3A_317 : memref<1x80xi32, #tpu.memory_space<vmem>> -> memref<80xi32, #tpu.memory_space<vmem>>
      %dma_wait3A_319 = arith.constant 0 : i32
      %dma_wait3A_320 = arith.constant 0 : i32
      %dma_wait3A_321 = tpu.memref_slice %arg10[%dma_wait3A_319, %dma_wait3A_320] : memref<10000x128xf32, #tpu.memory_space<vmem_shared>> -> memref<10000x128xf32, #tpu.memory_space<vmem_shared>>
      tpu.wait_indirect_dma semaphore(%run_scoped3A_309 : memref<!tpu.dma_semaphore, #tpu.memory_space<semaphore_mem>>) src(%arg8 : memref<80x128xf32, #tpu.memory_space<vmem>>) dst(%dma_wait3A_321 : memref<10000x128xf32, #tpu.memory_space<vmem_shared>>)
      tpu.yield
    }) : () -> ()
    %barrier3A_252 = arith.constant 0 : index
    tpu.barrier barrier_id(%barrier3A_252)
    %add3A_253 = arith.constant 0 : i32
    %add3A_254 = arith.addi %arg1, %add3A_253 : i32
    %lt3A_255 = arith.constant 50 : i32
    %lt3A_256 = arith.cmpi slt, %add3A_254, %lt3A_255 : i32
    %convert_element_type3A_257 = arith.extui %lt3A_256 : i1 to i32
    %cond3A_258 = arith.constant 0 : i32
    %cond3A_259 = arith.cmpi ne, %convert_element_type3A_257, %cond3A_258 : i32
    scf.if %cond3A_259 {
      %mul3A_309 = arith.constant 200 : i32
      %mul3A_310 = arith.muli %add3A_254, %mul3A_309 : i32
      %mul3A_311 = arith.constant 200 : i32
      %mul3A_312 = arith.muli %add3A_254, %mul3A_311 : i32
      %dma_start3A_313 = arith.constant 0 : i32
      %dma_start3A_314 = tpu.memref_slice %arg5[%arg0, %mul3A_312, %dma_start3A_313] : memref<2x10000x128xf32, #tpu.memory_space<hbm>> -> memref<1x200x128xf32, #tpu.memory_space<hbm>>
      %dma_start3A_315 = tpu.memref_squeeze %dma_start3A_314 : memref<1x200x128xf32, #tpu.memory_space<hbm>> -> memref<200x128xf32, #tpu.memory_space<hbm>>
      %dma_start3A_316 = arith.constant 0 : i32
      %dma_start3A_317 = tpu.memref_slice %arg10[%mul3A_310, %dma_start3A_316] : memref<10000x128xf32, #tpu.memory_space<vmem_shared>> -> memref<200x128xf32, #tpu.memory_space<vmem_shared>>
      tpu.enqueue_dma source(%dma_start3A_317 : memref<200x128xf32, #tpu.memory_space<vmem_shared>>) target(%dma_start3A_315 : memref<200x128xf32, #tpu.memory_space<hbm>>) target_semaphore(%arg11 : memref<!tpu.dma_semaphore, #tpu.memory_space<semaphore_mem>>)
    } else {
    }
    %add3A_260 = arith.constant 16 : i32
    %add3A_261 = arith.addi %arg1, %add3A_260 : i32
    %lt3A_262 = arith.constant 50 : i32
    %lt3A_263 = arith.cmpi slt, %add3A_261, %lt3A_262 : i32
    %convert_element_type3A_264 = arith.extui %lt3A_263 : i1 to i32
    %cond3A_265 = arith.constant 0 : i32
    %cond3A_266 = arith.cmpi ne, %convert_element_type3A_264, %cond3A_265 : i32
    scf.if %cond3A_266 {
      %mul3A_309 = arith.constant 200 : i32
      %mul3A_310 = arith.muli %add3A_261, %mul3A_309 : i32
      %mul3A_311 = arith.constant 200 : i32
      %mul3A_312 = arith.muli %add3A_261, %mul3A_311 : i32
      %dma_start3A_313 = arith.constant 0 : i32
      %dma_start3A_314 = tpu.memref_slice %arg5[%arg0, %mul3A_312, %dma_start3A_313] : memref<2x10000x128xf32, #tpu.memory_space<hbm>> -> memref<1x200x128xf32, #tpu.memory_space<hbm>>
      %dma_start3A_315 = tpu.memref_squeeze %dma_start3A_314 : memref<1x200x128xf32, #tpu.memory_space<hbm>> -> memref<200x128xf32, #tpu.memory_space<hbm>>
      %dma_start3A_316 = arith.constant 0 : i32
      %dma_start3A_317 = tpu.memref_slice %arg10[%mul3A_310, %dma_start3A_316] : memref<10000x128xf32, #tpu.memory_space<vmem_shared>> -> memref<200x128xf32, #tpu.memory_space<vmem_shared>>
      tpu.enqueue_dma source(%dma_start3A_317 : memref<200x128xf32, #tpu.memory_space<vmem_shared>>) target(%dma_start3A_315 : memref<200x128xf32, #tpu.memory_space<hbm>>) target_semaphore(%arg11 : memref<!tpu.dma_semaphore, #tpu.memory_space<semaphore_mem>>)
    } else {
    }
    %add3A_267 = arith.constant 32 : i32
    %add3A_268 = arith.addi %arg1, %add3A_267 : i32
    %lt3A_269 = arith.constant 50 : i32
    %lt3A_270 = arith.cmpi slt, %add3A_268, %lt3A_269 : i32
    %convert_element_type3A_271 = arith.extui %lt3A_270 : i1 to i32
    %cond3A_272 = arith.constant 0 : i32
    %cond3A_273 = arith.cmpi ne, %convert_element_type3A_271, %cond3A_272 : i32
    scf.if %cond3A_273 {
      %mul3A_309 = arith.constant 200 : i32
      %mul3A_310 = arith.muli %add3A_268, %mul3A_309 : i32
      %mul3A_311 = arith.constant 200 : i32
      %mul3A_312 = arith.muli %add3A_268, %mul3A_311 : i32
      %dma_start3A_313 = arith.constant 0 : i32
      %dma_start3A_314 = tpu.memref_slice %arg5[%arg0, %mul3A_312, %dma_start3A_313] : memref<2x10000x128xf32, #tpu.memory_space<hbm>> -> memref<1x200x128xf32, #tpu.memory_space<hbm>>
      %dma_start3A_315 = tpu.memref_squeeze %dma_start3A_314 : memref<1x200x128xf32, #tpu.memory_space<hbm>> -> memref<200x128xf32, #tpu.memory_space<hbm>>
      %dma_start3A_316 = arith.constant 0 : i32
      %dma_start3A_317 = tpu.memref_slice %arg10[%mul3A_310, %dma_start3A_316] : memref<10000x128xf32, #tpu.memory_space<vmem_shared>> -> memref<200x128xf32, #tpu.memory_space<vmem_shared>>
      tpu.enqueue_dma source(%dma_start3A_317 : memref<200x128xf32, #tpu.memory_space<vmem_shared>>) target(%dma_start3A_315 : memref<200x128xf32, #tpu.memory_space<hbm>>) target_semaphore(%arg11 : memref<!tpu.dma_semaphore, #tpu.memory_space<semaphore_mem>>)
    } else {
    }
    %add3A_274 = arith.constant 48 : i32
    %add3A_275 = arith.addi %arg1, %add3A_274 : i32
    %lt3A_276 = arith.constant 50 : i32
    %lt3A_277 = arith.cmpi slt, %add3A_275, %lt3A_276 : i32
    %convert_element_type3A_278 = arith.extui %lt3A_277 : i1 to i32
    %cond3A_279 = arith.constant 0 : i32
    %cond3A_280 = arith.cmpi ne, %convert_element_type3A_278, %cond3A_279 : i32
    scf.if %cond3A_280 {
      %mul3A_309 = arith.constant 200 : i32
      %mul3A_310 = arith.muli %add3A_275, %mul3A_309 : i32
      %mul3A_311 = arith.constant 200 : i32
      %mul3A_312 = arith.muli %add3A_275, %mul3A_311 : i32
      %dma_start3A_313 = arith.constant 0 : i32
      %dma_start3A_314 = tpu.memref_slice %arg5[%arg0, %mul3A_312, %dma_start3A_313] : memref<2x10000x128xf32, #tpu.memory_space<hbm>> -> memref<1x200x128xf32, #tpu.memory_space<hbm>>
      %dma_start3A_315 = tpu.memref_squeeze %dma_start3A_314 : memref<1x200x128xf32, #tpu.memory_space<hbm>> -> memref<200x128xf32, #tpu.memory_space<hbm>>
      %dma_start3A_316 = arith.constant 0 : i32
      %dma_start3A_317 = tpu.memref_slice %arg10[%mul3A_310, %dma_start3A_316] : memref<10000x128xf32, #tpu.memory_space<vmem_shared>> -> memref<200x128xf32, #tpu.memory_space<vmem_shared>>
      tpu.enqueue_dma source(%dma_start3A_317 : memref<200x128xf32, #tpu.memory_space<vmem_shared>>) target(%dma_start3A_315 : memref<200x128xf32, #tpu.memory_space<hbm>>) target_semaphore(%arg11 : memref<!tpu.dma_semaphore, #tpu.memory_space<semaphore_mem>>)
    } else {
    }
    %add3A_281 = arith.constant 0 : i32
    %add3A_282 = arith.addi %arg1, %add3A_281 : i32
    %lt3A_283 = arith.constant 50 : i32
    %lt3A_284 = arith.cmpi slt, %add3A_282, %lt3A_283 : i32
    %convert_element_type3A_285 = arith.extui %lt3A_284 : i1 to i32
    %cond3A_286 = arith.constant 0 : i32
    %cond3A_287 = arith.cmpi ne, %convert_element_type3A_285, %cond3A_286 : i32
    scf.if %cond3A_287 {
      %dma_wait3A_309 = arith.constant 0 : i32
      %dma_wait3A_310 = arith.constant 0 : i32
      %dma_wait3A_311 = tpu.memref_slice %arg5[%arg0, %dma_wait3A_309, %dma_wait3A_310] : memref<2x10000x128xf32, #tpu.memory_space<hbm>> -> memref<1x200x128xf32, #tpu.memory_space<hbm>>
      %dma_wait3A_312 = tpu.memref_squeeze %dma_wait3A_311 : memref<1x200x128xf32, #tpu.memory_space<hbm>> -> memref<200x128xf32, #tpu.memory_space<hbm>>
      %dma_wait3A_313 = arith.constant 0 : i32
      %dma_wait3A_314 = arith.constant 0 : i32
      %dma_wait3A_315 = tpu.memref_slice %arg10[%dma_wait3A_313, %dma_wait3A_314] : memref<10000x128xf32, #tpu.memory_space<vmem_shared>> -> memref<200x128xf32, #tpu.memory_space<vmem_shared>>
      tpu.wait_dma2 semaphore(%arg11 : memref<!tpu.dma_semaphore, #tpu.memory_space<semaphore_mem>>) src(%dma_wait3A_315 : memref<200x128xf32, #tpu.memory_space<vmem_shared>>) dst(%dma_wait3A_312 : memref<200x128xf32, #tpu.memory_space<hbm>>)
    } else {
    }
    %add3A_288 = arith.constant 16 : i32
    %add3A_289 = arith.addi %arg1, %add3A_288 : i32
    %lt3A_290 = arith.constant 50 : i32
    %lt3A_291 = arith.cmpi slt, %add3A_289, %lt3A_290 : i32
    %convert_element_type3A_292 = arith.extui %lt3A_291 : i1 to i32
    %cond3A_293 = arith.constant 0 : i32
    %cond3A_294 = arith.cmpi ne, %convert_element_type3A_292, %cond3A_293 : i32
    scf.if %cond3A_294 {
      %dma_wait3A_309 = arith.constant 0 : i32
      %dma_wait3A_310 = arith.constant 0 : i32
      %dma_wait3A_311 = tpu.memref_slice %arg5[%arg0, %dma_wait3A_309, %dma_wait3A_310] : memref<2x10000x128xf32, #tpu.memory_space<hbm>> -> memref<1x200x128xf32, #tpu.memory_space<hbm>>
      %dma_wait3A_312 = tpu.memref_squeeze %dma_wait3A_311 : memref<1x200x128xf32, #tpu.memory_space<hbm>> -> memref<200x128xf32, #tpu.memory_space<hbm>>
      %dma_wait3A_313 = arith.constant 0 : i32
      %dma_wait3A_314 = arith.constant 0 : i32
      %dma_wait3A_315 = tpu.memref_slice %arg10[%dma_wait3A_313, %dma_wait3A_314] : memref<10000x128xf32, #tpu.memory_space<vmem_shared>> -> memref<200x128xf32, #tpu.memory_space<vmem_shared>>
      tpu.wait_dma2 semaphore(%arg11 : memref<!tpu.dma_semaphore, #tpu.memory_space<semaphore_mem>>) src(%dma_wait3A_315 : memref<200x128xf32, #tpu.memory_space<vmem_shared>>) dst(%dma_wait3A_312 : memref<200x128xf32, #tpu.memory_space<hbm>>)
    } else {
    }
    %add3A_295 = arith.constant 32 : i32
    %add3A_296 = arith.addi %arg1, %add3A_295 : i32
    %lt3A_297 = arith.constant 50 : i32
    %lt3A_298 = arith.cmpi slt, %add3A_296, %lt3A_297 : i32
    %convert_element_type3A_299 = arith.extui %lt3A_298 : i1 to i32
    %cond3A_300 = arith.constant 0 : i32
    %cond3A_301 = arith.cmpi ne, %convert_element_type3A_299, %cond3A_300 : i32
    scf.if %cond3A_301 {
      %dma_wait3A_309 = arith.constant 0 : i32
      %dma_wait3A_310 = arith.constant 0 : i32
      %dma_wait3A_311 = tpu.memref_slice %arg5[%arg0, %dma_wait3A_309, %dma_wait3A_310] : memref<2x10000x128xf32, #tpu.memory_space<hbm>> -> memref<1x200x128xf32, #tpu.memory_space<hbm>>
      %dma_wait3A_312 = tpu.memref_squeeze %dma_wait3A_311 : memref<1x200x128xf32, #tpu.memory_space<hbm>> -> memref<200x128xf32, #tpu.memory_space<hbm>>
      %dma_wait3A_313 = arith.constant 0 : i32
      %dma_wait3A_314 = arith.constant 0 : i32
      %dma_wait3A_315 = tpu.memref_slice %arg10[%dma_wait3A_313, %dma_wait3A_314] : memref<10000x128xf32, #tpu.memory_space<vmem_shared>> -> memref<200x128xf32, #tpu.memory_space<vmem_shared>>
      tpu.wait_dma2 semaphore(%arg11 : memref<!tpu.dma_semaphore, #tpu.memory_space<semaphore_mem>>) src(%dma_wait3A_315 : memref<200x128xf32, #tpu.memory_space<vmem_shared>>) dst(%dma_wait3A_312 : memref<200x128xf32, #tpu.memory_space<hbm>>)
    } else {
    }
    %add3A_302 = arith.constant 48 : i32
    %add3A_303 = arith.addi %arg1, %add3A_302 : i32
    %lt3A_304 = arith.constant 50 : i32
    %lt3A_305 = arith.cmpi slt, %add3A_303, %lt3A_304 : i32
    %convert_element_type3A_306 = arith.extui %lt3A_305 : i1 to i32
    %cond3A_307 = arith.constant 0 : i32
    %cond3A_308 = arith.cmpi ne, %convert_element_type3A_306, %cond3A_307 : i32
    scf.if %cond3A_308 {
      %dma_wait3A_309 = arith.constant 0 : i32
      %dma_wait3A_310 = arith.constant 0 : i32
      %dma_wait3A_311 = tpu.memref_slice %arg5[%arg0, %dma_wait3A_309, %dma_wait3A_310] : memref<2x10000x128xf32, #tpu.memory_space<hbm>> -> memref<1x200x128xf32, #tpu.memory_space<hbm>>
      %dma_wait3A_312 = tpu.memref_squeeze %dma_wait3A_311 : memref<1x200x128xf32, #tpu.memory_space<hbm>> -> memref<200x128xf32, #tpu.memory_space<hbm>>
      %dma_wait3A_313 = arith.constant 0 : i32
      %dma_wait3A_314 = arith.constant 0 : i32
      %dma_wait3A_315 = tpu.memref_slice %arg10[%dma_wait3A_313, %dma_wait3A_314] : memref<10000x128xf32, #tpu.memory_space<vmem_shared>> -> memref<200x128xf32, #tpu.memory_space<vmem_shared>>
      tpu.wait_dma2 semaphore(%arg11 : memref<!tpu.dma_semaphore, #tpu.memory_space<semaphore_mem>>) src(%dma_wait3A_315 : memref<200x128xf32, #tpu.memory_space<vmem_shared>>) dst(%dma_wait3A_312 : memref<200x128xf32, #tpu.memory_space<hbm>>)
    } else {
    }
    return
  }
}

module attributes {stable_mosaic.version = 14 : i64} {
  func.func @_mm_body(%arg0: i32, %arg1: memref<2x2000x128xf32, #tpu.memory_space<vmem>>, %arg2: memref<2x128x256xf32, #tpu.memory_space<vmem>>, %arg3: memref<1x256xf32, #tpu.memory_space<vmem>>, %arg4: memref<2000x256xf32, #tpu.memory_space<vmem>>) attributes {dimension_semantics = [#tpu.dimension_semantics<arbitrary>], iteration_bounds = array<i64: 5>, scalar_prefetch = 0 : i64, scratch_operands = 0 : i64, tpu.core_type = #tpu.core_type<tc>, window_params = [{transform_indices = @transform_0, window_bounds = array<i64: 2, 2000, 128>}, {pipeline_mode = #tpu.pipeline_mode<synchronous>, transform_indices = @transform_1, window_bounds = array<i64: 2, 128, 256>}, {pipeline_mode = #tpu.pipeline_mode<synchronous>, transform_indices = @transform_2, window_bounds = array<i64: 1, 256>}, {transform_indices = @transform_3, window_bounds = array<i64: 2000, 256>}]} {
    %get3A = arith.constant 0 : index
    %get3A_0 = arith.constant 0 : index
    %get3A_1 = arith.constant 0 : index
    %get3A_2 = vector.load %arg1[%get3A, %get3A_0, %get3A_1] : memref<2x2000x128xf32, #tpu.memory_space<vmem>>, vector<1x2000x128xf32>
    %get3A_3 = vector.shape_cast %get3A_2 : vector<1x2000x128xf32> to vector<2000x128xf32>
    %get3A_4 = arith.constant 0 : index
    %get3A_5 = arith.constant 0 : index
    %get3A_6 = arith.constant 0 : index
    %get3A_7 = vector.load %arg2[%get3A_4, %get3A_5, %get3A_6] : memref<2x128x256xf32, #tpu.memory_space<vmem>>, vector<1x128x256xf32>
    %get3A_8 = vector.shape_cast %get3A_7 : vector<1x128x256xf32> to vector<128x256xf32>
    %dot_general3A = arith.constant dense<0.000000e+00> : vector<2000x256xf32>
    %dot_general3A_9 = tpu.matmul %get3A_3, %get3A_8, %dot_general3A {dimension_numbers = #tpu.dot_dimension_numbers<[1], [0], [0], [1], [0, 0, 1, 1], [], []>, transpose_lhs_hint = false} : vector<2000x128xf32>, vector<128x256xf32>, vector<2000x256xf32> -> vector<2000x256xf32>
    %get3A_10 = arith.constant 1 : index
    %get3A_11 = arith.constant 0 : index
    %get3A_12 = arith.constant 0 : index
    %get3A_13 = vector.load %arg1[%get3A_10, %get3A_11, %get3A_12] : memref<2x2000x128xf32, #tpu.memory_space<vmem>>, vector<1x2000x128xf32>
    %get3A_14 = vector.shape_cast %get3A_13 : vector<1x2000x128xf32> to vector<2000x128xf32>
    %get3A_15 = arith.constant 1 : index
    %get3A_16 = arith.constant 0 : index
    %get3A_17 = arith.constant 0 : index
    %get3A_18 = vector.load %arg2[%get3A_15, %get3A_16, %get3A_17] : memref<2x128x256xf32, #tpu.memory_space<vmem>>, vector<1x128x256xf32>
    %get3A_19 = vector.shape_cast %get3A_18 : vector<1x128x256xf32> to vector<128x256xf32>
    %dot_general3A_20 = arith.constant dense<0.000000e+00> : vector<2000x256xf32>
    %dot_general3A_21 = tpu.matmul %get3A_14, %get3A_19, %dot_general3A_20 {dimension_numbers = #tpu.dot_dimension_numbers<[1], [0], [0], [1], [0, 0, 1, 1], [], []>, transpose_lhs_hint = false} : vector<2000x128xf32>, vector<128x256xf32>, vector<2000x256xf32> -> vector<2000x256xf32>
    %add3A = arith.addf %dot_general3A_9, %dot_general3A_21 : vector<2000x256xf32>
    %get3A_22 = arith.constant 0 : index
    %get3A_23 = arith.constant 0 : index
    %get3A_24 = vector.load %arg3[%get3A_22, %get3A_23] : memref<1x256xf32, #tpu.memory_space<vmem>>, vector<1x256xf32>
    %add3A_25 = vector.broadcast %get3A_24 : vector<1x256xf32> to vector<2000x256xf32>
    %add3A_26 = arith.addf %add3A, %add3A_25 : vector<2000x256xf32>
    %swap3A = arith.constant 0 : index
    %swap3A_27 = arith.constant 0 : index
    %swap3A_28 = vector.load %arg4[%swap3A, %swap3A_27] : memref<2000x256xf32, #tpu.memory_space<vmem>>, vector<2000x256xf32>
    tpu.vector_store %arg4[%swap3A, %swap3A_27], %add3A_26 {strides = array<i32>} : memref<2000x256xf32, #tpu.memory_space<vmem>>, vector<2000x256xf32>,
    return
  }
  func.func @transform_0(%arg0: i32) -> (i32, i32, i32) {
    %c0_i32 = arith.constant 0 : i32
    %c0_i32_0 = arith.constant 0 : i32
    %c0_i32_1 = arith.constant 0 : i32
    return %c0_i32, %arg0, %c0_i32_0 : i32, i32, i32
  }
  func.func @transform_1(%arg0: i32) -> (i32, i32, i32) {
    %c0_i32 = arith.constant 0 : i32
    %c0_i32_0 = arith.constant 0 : i32
    %c0_i32_1 = arith.constant 0 : i32
    %c0_i32_2 = arith.constant 0 : i32
    return %c0_i32, %c0_i32_0, %c0_i32_1 : i32, i32, i32
  }
  func.func @transform_2(%arg0: i32) -> (i32, i32) {
    %c0_i32 = arith.constant 0 : i32
    %c0_i32_0 = arith.constant 0 : i32
    %c0_i32_1 = arith.constant 0 : i32
    return %c0_i32, %c0_i32_0 : i32, i32
  }
  func.func @transform_3(%arg0: i32) -> (i32, i32) {
    %c0_i32 = arith.constant 0 : i32
    %c0_i32_0 = arith.constant 0 : i32
    return %arg0, %c0_i32 : i32, i32
  }
}

</mosaic_0001>

<sc_bundles>
// kernel: kernel.4.cloned.1.call-start
scs
__scs_entry_jumppad:
0x0: {  	(pc) =	sbr.rel $0x88, $3  }
0x1: {  	(tag) =	ssettag $0x0;
	lr =	simm.s32 $0x1  }
0x2: {  	[smem:$0x3F9D] =	sst lr;
	_ =	strace $0xD0000000  }
0x3: {  	_ = 	snop  }
0x4: {  	_ = 	snop  }
0x5: {  	_ = 	snop  }
0x6: {  	_ = 	snop  }
0x7: {  	_ = 	snop  }
__scs_overlays_trampoline_lowered:
0x8: {  	[smem:$0x3FAC] =	sst s0  }
0x9: {  	[smem:$0x3FAD] =	sst s1  }
0xa: {  	[smem:$0x3FAE] =	sst s2  }
0xb: {  	[smem:$0x3FAF] =	sst s3  }
0xc: {  	[smem:$0x3FB0] =	sst s4  }
0xd: {  	[smem:$0x3FB1] =	sst s5  }
0xe: {  	[smem:$0x3FB2] =	sst s6  }
0xf: {  	[smem:$0x3FB3] =	sst s7  }
0x10: {  	[smem:$0x3FB4] =	sst s8  }
0x11: {  	[smem:$0x3FB5] =	sst s9;
	s0 =	simm.s32 @!p0 $0x0  }
0x12: {  	s1 =	sld [smem:$0x3F9B];
	s0 =	simm.s32 @p0 $0x1  }
0x13: {  	[smem:$0x3FB6] =	sst s0;
	s0 =	simm.s32 @!p1 $0x0  }
0x14: {  	s2 =	sld [smem:$0x3F9A];
	s0 =	simm.s32 @p1 $0x1  }
0x15: {  	[smem:$0x3FB7] =	sst s0;
	s0 =	simm.s32 @!p2 $0x0  }
0x16: {  	s3 =	sld [smem:$0x3FDB];
	s0 =	simm.s32 @p2 $0x1  }
0x17: {  	s4 =	simm.s32 $0x1BF5;
	[smem:$0x3FB9] =	sst s0  }
0x18: {  	s0 =	sld [smem:$0x3F9C];
	_ =	swait.ge [sflag:s4], $0x0  }
0x19: {  	s7 =	sld [smem:$0x3F9D]  }
0x1a: {  	s8 =	sadd.s32 $0xFFFFE003, lr  }
0x1b: {  	s9 =	sadd.s32 $0xFFFFFEF7, lr;
	s5 =	simm.s32 $0xFFFFFFFF;
	p2 =	slt.u32 s8, $0xFFFFF086  }
0x1c: {  	p1 =	slt.u32 s9, $0xF7A;
	s5 =	simm.s32 @!p2 $0x0  }
0x1d: {  	s5 =	simm.s32 @p1 $0x1;
	p0 =	seq.s32 s7, s2  }
0x1e: {  	s7 =	smul.u32 @!p0 $0xF7A, s2;
	p2 =	seq.s32 @!p0 s5, $0x0  }
0x1f: {  	s9 =	smul.u32 $0xF7A, s1;
	s8 =	simm.s32 @!p0 $0x1BF5;
	p2 =	por !p2, p0  }
0x20: {  	[sflag:s8] =	ssyncset.s32 @!p0 $0xFFFFF086;
	s6 =	sadd.s32 @!p0 s3, s7;
	s7 =	simm.s32 @!p0 $0x108  }
0x21: {  	s3 =	sadd.s32 s3, s9;
	s6 =	sadd.s32 @!p0 $0x88, s6;
	s7 =	simm.s32 @p2 $0x1082  }
0x22: {  	[simem:s7], [sflag:s8] =	dma.local @!p0 [hbm:s6], $0xF7A  }
0x23: {  	s9 =	sor.u32 $0xD0000000, s2;
	s6 =	simm.s32 $0x108;
	_ =	swait.ge @!p0 [sflag:s8], $0x0  }
0x24: {  	s3 =	sadd.s32 $0x88, s3;
	s6 =	simm.s32 @!p1 $0x1082;
	[sflag:s4] =	ssyncset.s32 $0xFFFFF086  }
0x25: {  	[simem:s6], [sflag:s4] =	dma.local [hbm:s3], $0xF7A  }
0x26: {  	[smem:$0x3F9D] =	sst s1;
	(tag) =	ssettag s2;
	_ =	strace s9  }
0x27: {  	s1 =	sld [smem:$0x3FAD]  }
0x28: {  	s2 =	sld [smem:$0x3FAE]  }
0x29: {  	s4 =	sld [smem:$0x3FB0]  }
0x2a: {  	p0 =	seq.s32 s5, $0x0;
	s5 =	sld [smem:$0x3FB1]  }
0x2b: {  	s6 =	sld [smem:$0x3FB2]  }
0x2c: {  	s7 =	sld [smem:$0x3FB3]  }
0x2d: {  	s3 =	simm.s32 $0x108;
	s8 =	sld [smem:$0x3FB4]  }
0x2e: {  	s3 =	simm.s32 @!p0 $0x1082;
	s9 =	sld [smem:$0x3FB5]  }
0x2f: {  	lr =	sadd.s32 s0, s3;
	s0 =	sld [smem:$0x3FAC]  }
0x30: {  	s3 =	sld [smem:$0x3FAF]  }
0x31: {  	[smem:$0x3FB8] =	sst s10  }
0x32: {  	s10 =	sld [smem:$0x3FB6];
	_ =	sdelay $0x3  }
0x33: {  	p0 =	seq.s32 s10, $0x1;
	s10 =	sld [smem:$0x3FB8];
	_ =	sdelay $0x3  }
0x34: {  	[smem:$0x3FB8] =	sst s10  }
0x35: {  	s10 =	sld [smem:$0x3FB7];
	_ =	sdelay $0x3  }
0x36: {  	p1 =	seq.s32 s10, $0x1;
	s10 =	sld [smem:$0x3FB8];
	_ =	sdelay $0x3  }
0x37: {  	[smem:$0x3FB8] =	sst s10  }
0x38: {  	s10 =	sld [smem:$0x3FB9]  }
0x39: {  	_ = 	snop;
	(pc) =	sbr.ind lr, $3  }
0x3a: {  	_ = 	snop  }
0x3b: {  	_ = 	snop  }
0x3c: {  	p2 =	seq.s32 s10, $0x1;
	s10 =	sld [smem:$0x3FB8]  }
0x3d: {  	_ =	shalt  }
0x3e: {  	_ =	shalt  }
0x3f: {  	_ =	shalt  }
0x40: {  	_ =	shalt  }
0x41: {  	_ =	shalt  }
0x42: {  	_ =	shalt  }
0x43: {  	_ =	shalt  }
0x44: {  	_ =	shalt  }
0x45: {  	_ =	shalt  }
0x46: {  	_ =	shalt  }
0x47: {  	_ =	shalt  }
0x48: {  	_ =	shalt  }
0x49: {  	_ =	shalt  }
0x4a: {  	_ =	shalt  }
0x4b: {  	_ =	shalt  }
0x4c: {  	_ =	shalt  }
0x4d: {  	_ =	shalt  }
0x4e: {  	_ =	shalt  }
0x4f: {  	_ =	shalt  }
0x50: {  	_ =	shalt  }
0x51: {  	_ =	shalt  }
0x52: {  	_ =	shalt  }
0x53: {  	_ =	shalt  }
0x54: {  	_ =	shalt  }
0x55: {  	_ =	shalt  }
0x56: {  	_ =	shalt  }
0x57: {  	_ =	shalt  }
0x58: {  	_ =	shalt  }
0x59: {  	_ =	shalt  }
0x5a: {  	_ =	shalt  }
0x5b: {  	_ =	shalt  }
0x5c: {  	_ =	shalt  }
0x5d: {  	_ =	shalt  }
0x5e: {  	_ =	shalt  }
0x5f: {  	_ =	shalt  }
0x60: {  	_ =	shalt  }
0x61: {  	_ =	shalt  }
0x62: {  	_ =	shalt  }
0x63: {  	_ =	shalt  }
0x64: {  	_ =	shalt  }
0x65: {  	_ =	shalt  }
0x66: {  	_ =	shalt  }
0x67: {  	_ =	shalt  }
0x68: {  	_ =	shalt  }
0x69: {  	_ =	shalt  }
0x6a: {  	_ =	shalt  }
0x6b: {  	_ =	shalt  }
0x6c: {  	_ =	shalt  }
0x6d: {  	_ =	shalt  }
0x6e: {  	_ =	shalt  }
0x6f: {  	_ =	shalt  }
0x70: {  	_ =	shalt  }
0x71: {  	_ =	shalt  }
0x72: {  	_ =	shalt  }
0x73: {  	_ =	shalt  }
0x74: {  	_ =	shalt  }
0x75: {  	_ =	shalt  }
0x76: {  	_ =	shalt  }
0x77: {  	_ =	shalt  }
0x78: {  	_ =	shalt  }
0x79: {  	_ =	shalt  }
0x7a: {  	_ =	shalt  }
0x7b: {  	_ =	shalt  }
0x7c: {  	_ =	shalt  }
0x7d: {  	_ =	shalt  }
0x7e: {  	_ =	shalt  }
0x7f: {  	_ =	shalt  }
0x80: {  	_ =	shalt  }
0x81: {  	_ =	shalt  }
0x82: {  	_ =	shalt  }
0x83: {  	_ =	shalt  }
0x84: {  	_ =	shalt  }
0x85: {  	_ =	shalt  }
0x86: {  	_ =	shalt  }
0x87: {  	_ =	shalt  }
.Lfunc_end0:
.L_simem_size_0:
called_computation_lowered:
.L_overlay_start_0:
0x88: {  	s2 =	sld [smem:$0x3FD9]  }
0x89: {  	s3 =	sld [smem:$0x3FFE];
	_ =	sdelay $0x1  }
0x8a: {  	s1 =	srdreg.scid  }
0x8b: {  	s0 =	sand.u32 $0x1, s1  }
0x8c: {  	s17 =	sshll.u32 s0, $0xA;
	s2 =	sadd.s32 s3, s2  }
0x8d: {  	s2 =	sadd.s32 s2, s17  }
0x8e: {  	[smem:$0x3FC4] =	sst s2  }
0x8f: {  	_ = 	snop  }
0x90: {  	s2 =	sld [smem:$0x3FD0];
	(tm) =	ssettm $0x1  }
0x91: {  	s18 =	sld [smem:$0x3FFB];
	_ =	sdelay $0x3  }
0x92: {  	_ =	strace s18  }
0x93: {  	s3 =	sld [smem:$0x3FFC];
	_ =	sdelay $0x3  }
0x94: {  	_ =	strace s3  }
0x95: {  	s3 =	sld [smem:$0x3FFD];
	_ =	sdelay $0x3  }
0x96: {  	_ =	strace s3  }
0x97: {  	_ =	strace $0x8FFFFFFF  }
0x98: {  	s19 =	sld [smem:$0x3FDB];
	_ =	sdelay $0x1  }
0x99: {  	s4 =	simm.s32 $_scs_section_size  }
0x9a: {  	s5 =	simm.s32 $_size__tile_overlayer_lowered;
	s6 =	simm.s32 $_tile_overlayer_lowered  }
0x9b: {  	s22 =	simm.s32 $0x1BFF;
	s21 =	sshll.u32 s6, $0x1;
	s3 =	sadd.s32 s4, s19  }
0x9c: {  	s7 =	simm.s32 $0x0;
	s20 =	sshll.u32 s5, $0x1;
	s5 =	sadd.s32 s21, s3  }
0x9d: {  	[timem:s7], [sflag:s22] =	dma.local [hbm:s5], s20  }
0x9e: {  	_ =	swait.ge [sflag:s22], s20  }
0x9f: {  	s4 =	ssub.s32 $0x0, s20;
	[sflag:s22] =	ssyncset.done $0x0  }
0xa0: {  	[sflag:s22] =	ssyncadd.s32 s4;
	_ =	sdelay $0x1  }
0xa1: {  	s23 =	simm.s32 $0x1B8B  }
0xa2: {  	_ =	swait.ge [sflag:s23], $0x1  }
0xa3: {  	[sflag:s23] =	ssyncset.done $0x0  }
0xa4: {  	s25 =	simm.s32 $0x1B8E;
	s24 =	sld [smem:$0x3FFE];
	[sflag:s23] =	ssyncadd.s32 $0xFFFFFFFF  }
0xa5: {  	s26 =	simm.s32 $execute0_lowered;
	[smem:$0x3FD2] =	sst s25  }
0xa6: {  	s5 =	sshll.u32 s26, $0x1;
	_ =	strace $0x80000046;
	[dreg:$0x1] =	wrdreg $0xFFFFFFFF  }
0xa7: {  	s28 =	simm.s32 $_size_execute0_lowered;
	s3 =	sadd.s32 s3, s5;
	[dreg:$0x0] =	wrdreg $0x0  }
0xa8: {  	s5 =	sshll.u32 s28, $0x1;
	[dreg:$0x2] =	wrdreg s3  }
0xa9: {  	[dreg:$0x3] =	wrdreg s5  }
0xaa: {  	[dreg:$0x4] =	wrdreg $0xC0  }
0xab: {  	_ =	task [dreg:s7], $0x5FFFF  }
0xac: {  	[dreg:$0x1] =	wrdreg $0xFFFFFFFF  }
0xad: {  	[dreg:$0x0] =	wrdreg $0x60  }
0xae: {  	[dreg:$0x2] =	wrdreg s2  }
0xaf: {  	[dreg:$0x3] =	wrdreg s24  }
0xb0: {  	[dreg:$0x4] =	wrdreg $0xB7800  }
0xb1: {  	[dreg:$0x5] =	wrdreg $0x9  }
0xb2: {  	_ =	task.clear_ibuf [dreg:s7], $0x6FFFF;
	_ =	strace $0x90000046  }
0xb3: {  	s29 =	simm.s32 $0x9;
	_ =	strace $0x80000048  }
0xb4: {  	_ =	swait.ge [sflag:s29], $0x1  }
0xb5: {  	[sflag:s29] =	ssyncadd.s32 $0xFFFFFFFF  }
0xb6: {  	_ =	strace $0x90000048  }
0xb7: {  	_ =	sfence  }
0xb8: {  	s30 =	sld [smem:$0x0];
	_ =	sdelay $0x2  }
0xb9: {  	s31 =	sshll.u32 s1, $0xD;
	s1 =	sshrl.u32 s1, $0x2  }
0xba: {  	s3 =	sand.u32 $0x4000, s31;
	s1 =	sadd.s32 s1, s30  }
0xbb: {  	s0 =	sor.u32 s3, s0;
	s1 =	sshll.u32 s1, $0x11  }
0xbc: {  	s0 =	sor.u32 s1, s0  }
0xbd: {  	s0 =	sadd.s32 $0x8F2B, s0  }
0xbe: {  	[sflag:s0] =	ssyncadd.remote.s32 $0x1  }
0xbf: {  	_ =	sfence.sel $0xFFFF  }
0xc0: {  	[dreg:$0x0] =	wrdreg $0xFFFFFFFF;
	(pc) =	sbr.abs _section_cstart, $3  }
0xc1: {  	[dreg:$0x1] =	wrdreg $0xFFFFFFFF  }
0xc2: {  	_ =	task.clear_ibuf [dreg:s7], $0x2FFFF;
	_ =	strace $0x9FFFFFFF  }
0xc3: {  	(tm) =	ssettm $0x7FFFFFFF  }
tec
execute0_lowered:
.L_overlay_start_1:
0x0: {  	(tag) =	ssettag $0x1  }
0x1: {  	s1 =	rddreg [dreg:$0x0]  }
0x2: {  	s0 =	rddreg [dreg:$0x1];
	s12 =	stileid.u32  }
0x3: {  	s3 =	rddreg [dreg:$0x2];
	s4 =	simm.s32 $0x0;
	s2 =	smul.u32 $0x4E2, s12  }
0x4: {  	s5 =	srdreg.scid;
	s28 =	simm.s32 $0x28;
	s9 =	smul.u32 $0xA000, s12  }
0x5: {  	s29 =	simm.s32 $0x50;
	s10 =	sor.u32 $0x10, s12;
	s26 =	smul.u32 $0x6400, s12  }
0x6: {  	s30 =	simm.s32 $0x8F80;
	s17 =	sor.u32 $0x20, s12;
	s11 =	smul.u32 $0xA000, s10  }
0x7: {  	s31 =	simm.s32 $0x7B80;
	s18 =	sor.u32 $0x30, s12;
	s21 =	smul.u32 $0xA000, s17  }
0x8: {  	[smem:$0x7FF] =	sst s4;
	s8 =	sand.u32 $0x1, s5;
	s23 =	smul.u32 $0xA000, s18  }
0x9: {  	s6 =	sshll.u32 s12, $0xB;
	p0 =	sgt.u32 s12, $0xC;
	s25 =	smul.u32 $0x138800, s8  }
0xa: {  	p1 =	sgt.u32 s12, $0x1;
	_ =	strace $0x80000047;
	s16 =	smul.u32 $0x6400, s10  }
0xb: {  	s19 =	sadd.s32 s6, s0;
	s20 =	ssub.s32 $0x2, s8;
	s14 =	smul.u32 $0x6400, s18  }
0xc: {  	s10 =	smul.u32 $0x19000, s10;
	v0 =	vmov s8;
	s8 =	simm.s32 $0x0;
	s2 =	sadd.s32 s2, s0  }
0xd: {  	s0 =	sadd.s32 $0xD200, s0;
	s7 =	sshrl.u32 s20, $0x1;
	s5 =	sadd.s32 $0x5200, s19  }
0xe: {  	s22 =	sshrl.u32 s9, $0x2;
	s6 =	ssub.s32 s20, s7;
	s2 =	sadd.s32 $0x200, s2  }
0xf: {  	[dreg:$0x5] =	wrdreg s5;
	s7 =	sadd.s32 s22, s3;
	s24 =	sshrl.u32 s11, $0x2  }
0x10: {  	s15 =	sshrl.u32 s23, $0x2;
	s20 =	smul.u32 $0x6400, s17;
	s9 =	sadd.s32 s25, s16  }
0x11: {  	s11 =	sadd.s32 s25, s14;
	s22 =	sshrl.u32 s10, $0x2;
	s23 =	smul.u32 $0x19000, s17  }
0x12: {  	[dreg:$0x4] =	wrdreg s2;
	s5 =	sadd.s32 s24, s3;
	s2 =	sshrl.u32 s21, $0x2  }
0x13: {  	s19 =	sadd.s32 $0xA0000, s7;
	s13 =	sadd.s32 $0xC8000, s7;
	[dreg:$0x6] =	wrdreg s5  }
0x14: {  	s14 =	sadd.s32 $0x118000, s7;
	s9 =	sshrl.u32 s9, $0x3;
	[dreg:$0x9] =	wrdreg s19  }
0x15: {  	s2 =	sadd.s32 s2, s3;
	[dreg:$0xa] =	wrdreg s13;
	s13 =	sadd.s32 $0xF0000, s7  }
0x16: {  	s5 =	sadd.s32 s26, s25;
	s19 =	smul.u32 $0x19000, s18;
	s24 =	sshrl.u32 s23, $0x2  }
0x17: {  	[dreg:$0x7] =	wrdreg s2;
	s2 =	sadd.s32 s15, s3;
	s15 =	smul.u32 $0x19000, s12  }
0x18: {  	s5 =	sshrl.u32 s5, $0x3;
	[dreg:$0x8] =	wrdreg s2;
	s2 =	sadd.s32 s25, s20  }
0x19: {  	s25 =	sshrl.u32 s11, $0x3;
	s26 =	sshrl.u32 s19, $0x2;
	s19 =	smax.u32 s6, $0x1  }
0x1a: {  	s20 =	simm.s32 $0x1;
	s6 =	simm.s32 $0x4;
	s16 =	sshrl.u32 s15, $0x2  }
0x1b: {  	s15 =	sadd.s32 s0, s5;
	s2 =	sshrl.u32 s2, $0x3;
	s18 =	sadd.s32 s0, s25  }
0x1c: {  	s25 =	simm.s32 $0x6780;
	s5 =	simm.s32 $0x5;
	s21 =	sadd.s32 s16, s3  }
0x1d: {  	s16 =	sadd.s32 s0, s9;
	s9 =	sadd.s32 s22, s3;
	s17 =	sadd.s32 s0, s2  }
0x1e: {  	s2 =	sadd.s32 s24, s3;
	s0 =	sadd.s32 s26, s3;
	s26 =	simm.s32 $0x3  }
0x1f: {  	s21 =	sshrl.u32 s21, $0x3;
	s22 =	sshrl.u32 s9, $0x3;
	s23 =	sshrl.u32 s2, $0x3  }
0x20: {  	v1 =	vimm.f32 $0.0e+00;
	s24 =	sshrl.u32 @!p1 s0, $0x3;
	s0 =	simm.s32 $0xA380;
	s2 =	simm.s32 $0x2  }
.LBB2_1:
0x21: {  	s9 =	rddreg [dreg:$0x4]  }
0x22: {  	[tilespmem:s4], [sflag:$0x3] =	stream.linear.gather [hbm4b:s9+s4], $0x2710, $0x38;
	[tilespmem:$0x1F000] =	vst v63  }
0x23: {  	s12 =	rddreg [dreg:$0x5];
	s10 =	simm.s32 $0x2780;
	s11 =	sand.u32 $0xFE00, s4  }
0x24: {  	[tilespmem:s10], [sflag:$0x3] =	stream.linear.gather [hbm4b:s12+s4], $0x3E80, $0x38;
	[tilespmem:$0x1F000] =	vst v63  }
0x25: {  	s11 =	sshrl.u32 s11, $0x2;
	s12 =	sand.u32 $0x70, s4  }
0x26: {  	s9 =	simm.s32 $0x40;
	s10 =	simm.s32 $0x0;
	s11 =	sor.u32 s12, s11  }
.LBB2_2:
0x27: {  	p2 =	sne.s32 s9, $0x9FC0  }
0x28: {  	[tilespmem:s11+$0x6780] =	vst v1;
	s10 =	sadd.s32 $0x10, s10;
	s11 =	smov.u32 s9;
	s9 =	sadd.s32 $0x40, s9  }
.Ltmp0:
0x29: {  	(pc) =	sbr.rel @p2 .LBB2_2-.Ltmp0, $4  }
0x2a: {  	_ = 	snop  }
0x2b: {  	s11 =	sand.u32 $0xFE00, s11  }
0x2c: {  	s12 =	sand.u32 $0x70, s10;
	s11 =	sshrl.u32 s11, $0x2  }
0x2d: {  	s11 =	sor.u32 s12, s11  }
0x2e: {  	[tilespmem:s11+$0x6780] =	vst v1  }
0x2f: {  	[spmem:s7] =	stream.linear.scatter [tilespmem:s25], [sflag:$0x1], $0x2800, $0x38;
	[tilespmem:$0x1F000] =	vst v63  }
0x30: {  	s9 =	rddreg [dreg:$0x6]  }
0x31: {  	[spmem:s9] =	stream.linear.scatter [tilespmem:s25], [sflag:$0x1], $0x2800, $0x38;
	[tilespmem:$0x1F000] =	vst v63  }
0x32: {  	s11 =	rddreg [dreg:$0x7]  }
0x33: {  	[spmem:s11] =	stream.linear.scatter [tilespmem:s25], [sflag:$0x1], $0x2800, $0x38;
	[tilespmem:$0x1F000] =	vst v63  }
0x34: {  	s12 =	rddreg [dreg:$0x8]  }
0x35: {  	[spmem:s12] =	stream.linear.scatter [tilespmem:s25], [sflag:$0x1], $0x2800, $0x38;
	[tilespmem:$0x1F000] =	vst v63  }
0x36: {  	s10 =	rddreg [dreg:$0x9]  }
0x37: {  	[spmem:s10] =	stream.linear.scatter [tilespmem:s25], [sflag:$0x1], $0x2800, $0x38;
	[tilespmem:$0x1F000] =	vst v63  }
0x38: {  	s11 =	rddreg [dreg:$0xa]  }
0x39: {  	[spmem:s11] =	stream.linear.scatter [tilespmem:s25], [sflag:$0x1], $0x2800, $0x38;
	[tilespmem:$0x1F000] =	vst v63  }
0x3a: {  	_ = 	snop  }
0x3b: {  	[spmem:s13] =	stream.linear.scatter [tilespmem:s25], [sflag:$0x1], $0x2800, $0x38;
	[tilespmem:$0x1F000] =	vst v63  }
0x3c: {  	s9 =	simm.s32 @!p0 $0x6780  }
0x3d: {  	[spmem:s14] =	stream.linear.scatter @!p0 [tilespmem:s9], [sflag:$0x1], $0x2800, $0x38;
	[tilespmem:$0x1F000] =	vst v63  }
0x3e: {  	_ =	swait.ge [sflag:s26], $0x2710  }
0x3f: {  	[sflag:s26] =	ssyncset.done $0x0  }
0x40: {  	[sflag:s26] =	ssyncadd.s32 $0xFFFFD8F0  }
0x41: {  	_ =	swait.ge [sflag:s26], $0x3E80  }
0x42: {  	[sflag:s26] =	ssyncset.done $0x0  }
0x43: {  	[sflag:s26] =	ssyncadd.s32 $0xFFFFC180  }
0x44: {  	v2 =	vld [tilespmem:$0x0]  }
0x45: {  	v3 =	vld [tilespmem:$0x10]  }
0x46: {  	v4 =	vld [tilespmem:$0x20]  }
0x47: {  	v5 =	vld [tilespmem:$0x30]  }
0x48: {  	v6 =	vld [tilespmem:$0x40]  }
0x49: {  	v7 =	vld [tilespmem:$0x50];
	v2 =	vshll.u32 v2, $0x1  }
0x4a: {  	v8 =	vld [tilespmem:$0x60];
	v3 =	vshll.u32 v3, $0x1;
	v2 =	vor.u32 v0, v2  }
0x4b: {  	v61 =	vld [tilespmem:$0x70];
	[tilespmem:$0x0] =	vst v2;
	v2 =	vor.u32 v0, v3;
	v3 =	vshll.u32 v4, $0x1  }
0x4c: {  	v62 =	vld [tilespmem:$0x80];
	[tilespmem:$0x10] =	vst v2;
	v2 =	vor.u32 v0, v3;
	v3 =	vshll.u32 v5, $0x1  }
0x4d: {  	v63 =	vld [tilespmem:$0x90];
	[tilespmem:$0x20] =	vst v2;
	v2 =	vor.u32 v0, v3;
	v3 =	vshll.u32 v6, $0x1  }
0x4e: {  	[tilespmem:$0x30] =	vst v2;
	v2 =	vor.u32 v0, v3;
	v3 =	vshll.u32 v7, $0x1  }
0x4f: {  	[tilespmem:$0x40] =	vst v2;
	v2 =	vor.u32 v0, v3;
	v3 =	vshll.u32 v8, $0x1  }
0x50: {  	[tilespmem:$0x50] =	vst v2;
	v2 =	vor.u32 v0, v3;
	v3 =	vshll.u32 v61, $0x1  }
0x51: {  	[tilespmem:$0x60] =	vst v2;
	v2 =	vor.u32 v0, v3;
	v3 =	vshll.u32 v62, $0x1  }
0x52: {  	[tilespmem:$0x70] =	vst v2;
	v2 =	vor.u32 v0, v3;
	v3 =	vshll.u32 v63, $0x1  }
0x53: {  	[tilespmem:$0x80] =	vst v2;
	v2 =	vor.u32 v0, v3  }
0x54: {  	[tilespmem:$0x90] =	vst v2  }
0x55: {  	[tilespmem:s30], [sflag:$0x3] =	stream.indirect.gather [hbm4b:s1+s28], $0x80, s29, s28, $0xb8;
	[tilespmem:$0x1F000] =	vst v63  }
0x56: {  	s12 =	simm.s32 $0x78;
	s10 =	simm.s32 $0x2C0;
	s9 =	simm.s32 $0xA0  }
0x57: {  	[tilespmem:s0], [sflag:$0x4] =	stream.indirect.gather [hbm4b:s1+s28], $0x80, s12, s28, $0xb8;
	[tilespmem:$0x1F000] =	vst v63  }
.LBB2_4:
0x58: {  	p2 =	sne.s32 s10, $0x9C00;
	v2 =	vld [tilespmem:s9+$0x0];
	_ =	sdelay $0x2  }
.Ltmp1:
0x59: {  	(pc) =	sbr.rel @p2 .LBB2_4-.Ltmp1, $4  }
0x5a: {  	_ = 	snop  }
0x5b: {  	v2 =	vshll.u32 v2, $0x1  }
0x5c: {  	v2 =	vor.u32 v0, v2  }
0x5d: {  	[tilespmem:s9+$0x0] =	vst v2;
	s9 =	sshra.s32 s10, $0x2;
	s10 =	sadd.s32 $0x40, s10  }
0x5e: {  	v2 =	vld [tilespmem:s9+$0x0];
	_ =	sdelay $0x4  }
0x5f: {  	v2 =	vshll.u32 v2, $0x1  }
0x60: {  	v2 =	vor.u32 v0, v2  }
0x61: {  	[tilespmem:s9+$0x0] =	vst v2  }
0x62: {  	_ =	swait.ge [sflag:s20], $0x2800  }
0x63: {  	[sflag:s20] =	ssyncset.done $0x0  }
0x64: {  	[sflag:s20] =	ssyncadd.s32 $0xFFFFD800  }
0x65: {  	_ =	swait.ge [sflag:s20], $0x2800  }
0x66: {  	[sflag:s20] =	ssyncset.done $0x0  }
0x67: {  	[sflag:s20] =	ssyncadd.s32 $0xFFFFD800  }
0x68: {  	_ =	swait.ge [sflag:s20], $0x2800  }
0x69: {  	[sflag:s20] =	ssyncset.done $0x0  }
0x6a: {  	[sflag:s20] =	ssyncadd.s32 $0xFFFFD800  }
0x6b: {  	_ =	swait.ge [sflag:s20], $0x2800  }
0x6c: {  	[sflag:s20] =	ssyncset.done $0x0  }
0x6d: {  	[sflag:s20] =	ssyncadd.s32 $0xFFFFD800  }
0x6e: {  	_ =	swait.ge [sflag:s20], $0x2800  }
0x6f: {  	[sflag:s20] =	ssyncset.done $0x0  }
0x70: {  	[sflag:s20] =	ssyncadd.s32 $0xFFFFD800  }
0x71: {  	_ =	swait.ge [sflag:s20], $0x2800  }
0x72: {  	[sflag:s20] =	ssyncset.done $0x0  }
0x73: {  	[sflag:s20] =	ssyncadd.s32 $0xFFFFD800  }
0x74: {  	_ =	swait.ge [sflag:s20], $0x2800  }
0x75: {  	[sflag:s20] =	ssyncset.done $0x0  }
0x76: {  	s9 =	simm.s32 @!p0 $0x1;
	[sflag:s20] =	ssyncadd.s32 $0xFFFFD800  }
0x77: {  	_ =	swait.ge @!p0 [sflag:s9], $0x2800  }
0x78: {  	[sflag:s9] =	ssyncset.done @!p0 $0x0  }
0x79: {  	s10 =	simm.s32 $0x0;
	[sflag:s9] =	ssyncadd.s32 @!p0 $0xFFFFD800  }
0x7a: {  	[tilespmem:s25], [sflag:$0x1] =	stream.indirect.gather [hbm4b:s1+s28], $0x80, s10, s28, $0xb8;
	[tilespmem:$0x1F000] =	vst v63  }
0x7b: {  	_ = 	snop  }
0x7c: {  	[tilespmem:s31], [sflag:$0x2] =	stream.indirect.gather [hbm4b:s1+s28], $0x80, s28, s28, $0xb8;
	[tilespmem:$0x1F000] =	vst v63  }
0x7d: {  	[bflag:$0x0] =	sbarrier.arrive $0xFFFF  }
0x7e: {  	_ =	swait.ge [sflag:s20], $0x1400  }
0x7f: {  	[sflag:s20] =	ssyncset.done $0x0  }
0x80: {  	[sflag:s20] =	ssyncadd.s32 $0xFFFFEC00  }
0x81: {  	_ =	swait.ge [sflag:s2], $0x1400  }
0x82: {  	[sflag:s2] =	ssyncset.done $0x0  }
0x83: {  	s11 =	simm.s32 $0x2780;
	[sflag:s2] =	ssyncadd.s32 $0xFFFFEC00  }
0x84: {  	[spmem:s3] =	stream.indirect.scatter.add.f32 [tilespmem:s25], [sflag:$0x5], $0x80, s11, s29, $0xb8;
	[tilespmem:$0x1F000] =	vst v63  }
0x85: {  	_ =	swait.ge [sflag:s5], $0x2800  }
0x86: {  	[sflag:s5] =	ssyncset.done $0x0  }
0x87: {  	s12 =	simm.s32 $0xA0;
	[sflag:s5] =	ssyncadd.s32 $0xFFFFD800  }
0x88: {  	[tilespmem:s25], [sflag:$0x1] =	stream.indirect.gather [hbm4b:s1+s28], $0x80, s12, s28, $0xb8;
	[tilespmem:$0x1F000] =	vst v63  }
0x89: {  	s10 =	simm.s32 $0xC8  }
0x8a: {  	[tilespmem:s31], [sflag:$0x2] =	stream.indirect.gather [hbm4b:s1+s28], $0x80, s10, s28, $0xb8;
	[tilespmem:$0x1F000] =	vst v63  }
0x8b: {  	_ =	swait.ge [sflag:s26], $0x1400  }
0x8c: {  	[sflag:s26] =	ssyncset.done $0x0  }
0x8d: {  	[sflag:s26] =	ssyncadd.s32 $0xFFFFEC00  }
0x8e: {  	_ =	swait.ge [sflag:s6], $0x1400  }
0x8f: {  	[sflag:s6] =	ssyncset.done $0x0  }
0x90: {  	s11 =	simm.s32 $0x2800;
	[sflag:s6] =	ssyncadd.s32 $0xFFFFEC00  }
0x91: {  	[spmem:s3] =	stream.indirect.scatter.add.f32 [tilespmem:s30], [sflag:$0x5], $0x80, s11, s29, $0xb8;
	[tilespmem:$0x1F000] =	vst v63  }
0x92: {  	_ =	swait.ge [sflag:s5], $0x2800  }
0x93: {  	s9 =	simm.s32 $0x280;
	s12 =	simm.s32 $0xF0;
	[sflag:s5] =	ssyncset.done $0x0  }
0x94: {  	s10 =	simm.s32 $0x2900;
	s11 =	simm.s32 $0x118;
	[sflag:s5] =	ssyncadd.s32 $0xFFFFD800  }
0x95: {  	[tilespmem:s30], [sflag:$0x3] =	stream.indirect.gather [hbm4b:s1+s28], $0x80, s12, s28, $0xb8;
	[tilespmem:$0x1F000] =	vst v63  }
.LBB2_6:
0x96: {  	[tilespmem:s0], [sflag:$0x4] =	stream.indirect.gather [hbm4b:s1+s28], $0x80, s11, s28, $0xb8;
	[tilespmem:$0x1F000] =	vst v63  }
0x97: {  	s11 =	smov.u32 s9  }
0x98: {  	p2 =	sne.s32 s9, $0x9600;
	s9 =	sadd.s32 $0x280, s9;
	_ =	swait.ge [sflag:s20], $0x1400  }
0x99: {  	[sflag:s20] =	ssyncset.done $0x0  }
0x9a: {  	[sflag:s20] =	ssyncadd.s32 $0xFFFFEC00  }
0x9b: {  	_ =	swait.ge [sflag:s2], $0x1400  }
0x9c: {  	[sflag:s2] =	ssyncset.done $0x0  }
0x9d: {  	s12 =	sadd.s32 $0xFFFFFF80, s10;
	[sflag:s2] =	ssyncadd.s32 $0xFFFFEC00  }
0x9e: {  	[spmem:s3] =	stream.indirect.scatter.add.f32 [tilespmem:s25], [sflag:$0x5], $0x80, s12, s29, $0xb8;
	[tilespmem:$0x1F000] =	vst v63  }
0x9f: {  	_ =	swait.ge [sflag:s5], $0x2800  }
0xa0: {  	s11 =	sshra.s32 s11, $0x2;
	[sflag:s5] =	ssyncset.done $0x0  }
0xa1: {  	s12 =	sadd.s32 $0xA0, s11;
	[sflag:s5] =	ssyncadd.s32 $0xFFFFD800  }
0xa2: {  	[tilespmem:s25], [sflag:$0x1] =	stream.indirect.gather [hbm4b:s1+s28], $0x80, s12, s28, $0xb8;
	[tilespmem:$0x1F000] =	vst v63  }
0xa3: {  	s12 =	sadd.s32 $0xC8, s11  }
0xa4: {  	[tilespmem:s31], [sflag:$0x2] =	stream.indirect.gather [hbm4b:s1+s28], $0x80, s12, s28, $0xb8;
	[tilespmem:$0x1F000] =	vst v63  }
0xa5: {  	_ =	swait.ge [sflag:s26], $0x1400  }
0xa6: {  	[sflag:s26] =	ssyncset.done $0x0  }
0xa7: {  	[sflag:s26] =	ssyncadd.s32 $0xFFFFEC00  }
0xa8: {  	_ =	swait.ge [sflag:s6], $0x1400  }
0xa9: {  	[sflag:s6] =	ssyncset.done $0x0  }
0xaa: {  	[sflag:s6] =	ssyncadd.s32 $0xFFFFEC00  }
0xab: {  	[spmem:s3] =	stream.indirect.scatter.add.f32 [tilespmem:s30], [sflag:$0x5], $0x80, s10, s29, $0xb8;
	[tilespmem:$0x1F000] =	vst v63  }
.Ltmp2:
0xac: {  	_ =	swait.ge [sflag:s5], $0x2800;
	(pc) =	sbr.rel @p2 .LBB2_6-.Ltmp2, $4  }
0xad: {  	[sflag:s5] =	ssyncset.done $0x0  }
0xae: {  	s12 =	sadd.s32 $0xF0, s11;
	[sflag:s5] =	ssyncadd.s32 $0xFFFFD800  }
0xaf: {  	[tilespmem:s30], [sflag:$0x3] =	stream.indirect.gather [hbm4b:s1+s28], $0x80, s12, s28, $0xb8;
	[tilespmem:$0x1F000] =	vst v63  }
0xb0: {  	s11 =	sadd.s32 $0x118, s11;
	s10 =	sadd.s32 $0x100, s10  }
0xb1: {  	[tilespmem:s0], [sflag:$0x4] =	stream.indirect.gather [hbm4b:s1+s28], $0x80, s11, s28, $0xb8;
	[tilespmem:$0x1F000] =	vst v63  }
0xb2: {  	_ =	swait.ge [sflag:s20], $0x1400  }
0xb3: {  	[sflag:s20] =	ssyncset.done $0x0  }
0xb4: {  	[sflag:s20] =	ssyncadd.s32 $0xFFFFEC00  }
0xb5: {  	_ =	swait.ge [sflag:s2], $0x1400  }
0xb6: {  	[sflag:s2] =	ssyncset.done $0x0  }
0xb7: {  	s9 =	simm.s32 $0x6480;
	[sflag:s2] =	ssyncadd.s32 $0xFFFFEC00  }
0xb8: {  	[spmem:s3] =	stream.indirect.scatter.add.f32 [tilespmem:s25], [sflag:$0x5], $0x80, s9, s29, $0xb8;
	[tilespmem:$0x1F000] =	vst v63  }
0xb9: {  	_ =	swait.ge [sflag:s5], $0x2800  }
0xba: {  	[sflag:s5] =	ssyncset.done $0x0  }
0xbb: {  	s11 =	simm.s32 $0x26C0;
	[sflag:s5] =	ssyncadd.s32 $0xFFFFD800  }
0xbc: {  	[tilespmem:s25], [sflag:$0x1] =	stream.indirect.gather [hbm4b:s1+s28], $0x80, s11, s28, $0xb8;
	[tilespmem:$0x1F000] =	vst v63  }
0xbd: {  	s12 =	simm.s32 $0x26E8  }
0xbe: {  	[tilespmem:s31], [sflag:$0x2] =	stream.indirect.gather [hbm4b:s1+s28], $0x80, s12, s28, $0xb8;
	[tilespmem:$0x1F000] =	vst v63  }
0xbf: {  	_ =	swait.ge [sflag:s26], $0x1400  }
0xc0: {  	[sflag:s26] =	ssyncset.done $0x0  }
0xc1: {  	[sflag:s26] =	ssyncadd.s32 $0xFFFFEC00  }
0xc2: {  	_ =	swait.ge [sflag:s6], $0x1400  }
0xc3: {  	[sflag:s6] =	ssyncset.done $0x0  }
0xc4: {  	s10 =	simm.s32 $0x6500;
	[sflag:s6] =	ssyncadd.s32 $0xFFFFEC00  }
0xc5: {  	[spmem:s3] =	stream.indirect.scatter.add.f32 [tilespmem:s30], [sflag:$0x5], $0x80, s10, s29, $0xb8;
	[tilespmem:$0x1F000] =	vst v63  }
0xc6: {  	_ =	swait.ge [sflag:s5], $0x2800  }
0xc7: {  	[sflag:s5] =	ssyncset.done $0x0  }
0xc8: {  	[sflag:s5] =	ssyncadd.s32 $0xFFFFD800  }
0xc9: {  	_ =	swait.ge [sflag:s20], $0x1400  }
0xca: {  	[sflag:s20] =	ssyncset.done $0x0  }
0xcb: {  	[sflag:s20] =	ssyncadd.s32 $0xFFFFEC00  }
0xcc: {  	_ =	swait.ge [sflag:s2], $0x1400  }
0xcd: {  	[sflag:s2] =	ssyncset.done $0x0  }
0xce: {  	s11 =	simm.s32 $0x6580;
	[sflag:s2] =	ssyncadd.s32 $0xFFFFEC00  }
0xcf: {  	[spmem:s3] =	stream.indirect.scatter.add.f32 [tilespmem:s25], [sflag:$0x5], $0x80, s11, s29, $0xb8;
	[tilespmem:$0x1F000] =	vst v63  }
0xd0: {  	_ =	swait.ge [sflag:s5], $0x2800  }
0xd1: {  	s12 =	stileid.u32;
	[sflag:s5] =	ssyncset.done $0x0  }
0xd2: {  	s9 =	sshll.u32 s12, $0x6;
	[sflag:s5] =	ssyncadd.s32 $0xFFFFD800  }
0xd3: {  	s9 =	sor.u32 $0x1C01, s9;
	[bflag:$0x0] =	sbarrier.arrive $0xFFFF  }
0xd4: {  	[hbm:s15], [sflag:s9] =	dma.local [spmem:s21], $0xC80  }
0xd5: {  	[hbm:s16], [sflag:s9] =	dma.local [spmem:s22], $0xC80  }
0xd6: {  	[hbm:s17], [sflag:s9] =	dma.local [spmem:s23], $0xC80  }
0xd7: {  	[hbm:s18], [sflag:s9] =	dma.local @!p1 [spmem:s24], $0xC80  }
0xd8: {  	s9 =	simm.s32 @!p1 $0x1  }
0xd9: {  	_ =	swait.ge @!p1 [sflag:s9], $0xC80  }
0xda: {  	[sflag:s9] =	ssyncset.done @!p1 $0x0  }
0xdb: {  	[sflag:s9] =	ssyncadd.s32 @!p1 $0xFFFFF380  }
0xdc: {  	_ =	swait.ge [sflag:s20], $0xC80  }
0xdd: {  	[sflag:s20] =	ssyncset.done $0x0  }
0xde: {  	s8 =	sadd.s32 $0x1, s8;
	[sflag:s20] =	ssyncadd.s32 $0xFFFFF380  }
0xdf: {  	p2 =	sne.s32 s8, s19;
	_ =	swait.ge [sflag:s20], $0xC80  }
.Ltmp3:
0xe0: {  	[sflag:s20] =	ssyncset.done $0x0;
	(pc) =	sbr.rel @p2 .LBB2_1-.Ltmp3, $4  }
0xe1: {  	[sflag:s20] =	ssyncadd.s32 $0xFFFFF380  }
0xe2: {  	_ =	swait.ge [sflag:s20], $0xC80  }
0xe3: {  	[sflag:s20] =	ssyncset.done $0x0  }
0xe4: {  	[sflag:s20] =	ssyncadd.s32 $0xFFFFF380  }
0xe5: {  	_ =	sfence.sel $0x180000  }
0xe6: {  	[bflag:$0x0] =	sbarrier.arrive $0xFFFF  }
0xe7: {  	_ =	strace $0x90000047  }
0xe8: {  	s0 =	stileid.u32;
	[bflag:$0x2] =	sbarrier.arrive $0xFFFF  }
0xe9: {  	p0 =	sne.s32 s0, $0x0;
	s0 =	rddreg [dreg:$0x3]  }
0xea: {  	s0 =	sadd.s32 @!p0 $0x100000, s0  }
0xeb: {  	[sflag:s0] =	ssyncadd.tile.s32 @!p0 $0x1;
	_ =	shalt  }
.Lfunc_end2:
_tile_overlayer_lowered:
.L_overlay_start_2:
0xec: {  	(tag) =	ssettag $0x2  }
0xed: {  	s0 =	rddreg [dreg:$0x0];
	s2 =	stileid.u32  }
0xee: {  	s1 =	rddreg [dreg:$0x1];
	p0 =	sne.s32 s2, $0x0  }
0xef: {  	s3 =	rddreg [dreg:$0x2];
	[bflag:$0x3] =	sbarrier.arrive $0xFFFF;
	s2 =	simm.s32 @!p0 $0x1C05  }
0xf0: {  	[timem:s3], [sflag:s2] =	dma.local @!p0 [hbm:s0], s1  }
0xf1: {  	s0 =	simm.s32 @!p0 $0x5  }
0xf2: {  	_ =	swait.ge @!p0 [sflag:s0], s1  }
0xf3: {  	s1 =	ssub.s32 @!p0 $0x0, s1;
	[sflag:s0] =	ssyncset.done @!p0 $0x0  }
0xf4: {  	[sflag:s0] =	ssyncadd.s32 @!p0 s1  }
0xf5: {  	[bflag:$0x3] =	sbarrier.arrive $0xFFFF  }
0xf6: {  	_ =	shalt  }

</sc_bundles>
